<compile_context>
chip_gen: v7x
topology: tpu7x:2x2x1
jax: 0.10.2.dev20260603
libtpu: 0.0.44.dev20260713+nightly
codegen_flags: <defaults>
</compile_context>

<pallas_src>
import functools

import jax
import jax.numpy as jnp
from jax import lax
from jax.experimental import pallas as pl
from jax.experimental.pallas import tpu as pltpu
from jax.experimental.pallas import tpu_sc as plsc

VOCAB = 100000
DIM = 128
B = 1024
L = 200
N = B * L

_info = plsc.get_sparse_core_info()
NC, NS = _info.num_cores, _info.num_subcores
NW = NC * NS
PER_W = N // NW
CHUNK = 80
NCHUNK = PER_W // CHUNK


NBUF = 10
AHEAD = 8

assert NCHUNK % NBUF == 0 and 1 <= AHEAD < NBUF


def _make_kernel():
    mesh = plsc.VectorSubcoreMesh(core_axis_name="c", subcore_axis_name="s")

    @functools.partial(
        pl.kernel,
        mesh=mesh,
        out_type=jax.ShapeDtypeStruct((N, DIM), jnp.float32),
        scratch_types=[
            pltpu.VMEM((PER_W,), jnp.int32),
        ] + [pltpu.VMEM((CHUNK, DIM), jnp.float32)] * NBUF
          + [pltpu.SemaphoreType.DMA] * (2 * NBUF),
    )
    def gather_kernel(table_hbm, idx_hbm, out_hbm, idx_v, *bufs):
        rows = bufs[:NBUF]
        gs = bufs[NBUF:2 * NBUF]
        ws = bufs[2 * NBUF:]
        wid = lax.axis_index("s") * NC + lax.axis_index("c")
        base = wid * PER_W
        pltpu.sync_copy(idx_hbm.at[pl.ds(base, PER_W)], idx_v)

        def g_desc(j, b):
            return pltpu.make_async_copy(
                table_hbm.at[idx_v.at[pl.ds(j * CHUNK, CHUNK)]], rows[b], gs[b])

        def w_desc(j, b):
            return pltpu.make_async_copy(
                rows[b], out_hbm.at[pl.ds(base + j * CHUNK, CHUNK)], ws[b])

        for j in range(AHEAD):
            g_desc(j, j).start()
        for j in range(NBUF - AHEAD):
            g_desc(j, j % NBUF).wait()
            w_desc(j, j % NBUF).start()
            g_desc(j + AHEAD, (j + AHEAD) % NBUF).start()

        def body(i, carry):
            for o in range(NBUF):
                j = (NBUF - AHEAD) + i * NBUF + o
                b = (NBUF - AHEAD + o) % NBUF
                g_desc(j, b).wait()
                w_desc(j, b).start()
                ba = (b + AHEAD) % NBUF
                w_desc(j + AHEAD - NBUF, ba).wait()
                g_desc(j + AHEAD, ba).start()
            return carry

        lax.fori_loop(0, (NCHUNK - NBUF) // NBUF, body, 0)

        for j in range(NCHUNK - AHEAD, NCHUNK):
            b = j % NBUF
            g_desc(j, b).wait()
            w_desc(j, b).start()
            w_desc(j + AHEAD - NBUF, (b + AHEAD) % NBUF).wait()
        for j in range(NCHUNK - NBUF + AHEAD, NCHUNK):
            w_desc(j, j % NBUF).wait()

    return gather_kernel


_gather = _make_kernel()


def kernel(idx, W):
    flat = idx.reshape(N).astype(jnp.int32)
    out = _gather(W, flat)
    return out.reshape(B, L, DIM)

# --- scband reference (transcript-rebuilt; emitter-appended) ---
"""Pipeline reference for scband-language-core-39968965657199 (READ-ONLY COPY).

The authoritative reference and input builder live on the scoring server;
editing this copy changes nothing except your own understanding.
"""

import jax, jax.numpy as jnp
import numpy as np

VOCAB = 100000
DIM = 128
B = 1024
L = 200

def setup_inputs(seed: int = 0) -> dict:
    key = jax.random.key(seed)
    k_idx, k_w = jax.random.split(key)
    idx = jax.random.randint(k_idx, (B, L), 0, VOCAB, dtype=jnp.int64) if jax.config.jax_enable_x64 else jax.random.randint(k_idx, (B, L), 0, VOCAB, dtype=jnp.int32)
    # embedding table, init normal(0, 0.02) as in the torch module
    W = jax.random.normal(k_w, (VOCAB, DIM), dtype=jnp.float32) * 0.02
    return {"idx": idx, "W": W}

def reference(idx, W):
    # LanguageCore.embed(idx): tied-weight embedding lookup (row gather from table)
    return jnp.take(W, idx, axis=0)

if __name__ == "__main__":
    import jax
    _d = setup_inputs()
    print(jax.jit(kernel)(*tuple(_d.values())))

</pallas_src>

<mosaic_0001>
#map = affine_map<(d0, d1) -> (0, 0)>
#map1 = affine_map<(d0, d1) -> (0)>
module attributes {stable_mosaic.version = 14 : i64} {
  func.func @gather_kernel(%arg0: i32, %arg1: i32, %arg2: memref<100000x128xf32, #tpu.memory_space<hbm>>, %arg3: memref<204800xi32, #tpu.memory_space<hbm>>, %arg4: memref<204800x128xf32, #tpu.memory_space<hbm>>, %arg5: memref<6400xi32, #tpu.memory_space<vmem>>, %arg6: memref<80x128xf32, #tpu.memory_space<vmem>>, %arg7: memref<80x128xf32, #tpu.memory_space<vmem>>, %arg8: memref<80x128xf32, #tpu.memory_space<vmem>>, %arg9: memref<80x128xf32, #tpu.memory_space<vmem>>, %arg10: memref<80x128xf32, #tpu.memory_space<vmem>>, %arg11: memref<80x128xf32, #tpu.memory_space<vmem>>, %arg12: memref<80x128xf32, #tpu.memory_space<vmem>>, %arg13: memref<80x128xf32, #tpu.memory_space<vmem>>, %arg14: memref<80x128xf32, #tpu.memory_space<vmem>>, %arg15: memref<80x128xf32, #tpu.memory_space<vmem>>, %arg16: memref<!tpu.dma_semaphore, #tpu.memory_space<semaphore_mem>>, %arg17: memref<!tpu.dma_semaphore, #tpu.memory_space<semaphore_mem>>, %arg18: memref<!tpu.dma_semaphore, #tpu.memory_space<semaphore_mem>>, %arg19: memref<!tpu.dma_semaphore, #tpu.memory_space<semaphore_mem>>, %arg20: memref<!tpu.dma_semaphore, #tpu.memory_space<semaphore_mem>>, %arg21: memref<!tpu.dma_semaphore, #tpu.memory_space<semaphore_mem>>, %arg22: memref<!tpu.dma_semaphore, #tpu.memory_space<semaphore_mem>>, %arg23: memref<!tpu.dma_semaphore, #tpu.memory_space<semaphore_mem>>, %arg24: memref<!tpu.dma_semaphore, #tpu.memory_space<semaphore_mem>>, %arg25: memref<!tpu.dma_semaphore, #tpu.memory_space<semaphore_mem>>, %arg26: memref<!tpu.dma_semaphore, #tpu.memory_space<semaphore_mem>>, %arg27: memref<!tpu.dma_semaphore, #tpu.memory_space<semaphore_mem>>, %arg28: memref<!tpu.dma_semaphore, #tpu.memory_space<semaphore_mem>>, %arg29: memref<!tpu.dma_semaphore, #tpu.memory_space<semaphore_mem>>, %arg30: memref<!tpu.dma_semaphore, #tpu.memory_space<semaphore_mem>>, %arg31: memref<!tpu.dma_semaphore, #tpu.memory_space<semaphore_mem>>, %arg32: memref<!tpu.dma_semaphore, #tpu.memory_space<semaphore_mem>>, %arg33: memref<!tpu.dma_semaphore, #tpu.memory_space<semaphore_mem>>, %arg34: memref<!tpu.dma_semaphore, #tpu.memory_space<semaphore_mem>>, %arg35: memref<!tpu.dma_semaphore, #tpu.memory_space<semaphore_mem>>) attributes {dimension_semantics = [#tpu.dimension_semantics<core_parallel>, #tpu.dimension_semantics<subcore_parallel>], iteration_bounds = array<i64: 2, 16>, scalar_prefetch = 0 : i64, scratch_operands = 31 : i64, tpu.core_type = #tpu.core_type<sc_vector_subcore>, window_params = [{transform_indices = #map}, {transform_indices = #map1}, {transform_indices = #map}]} {
    %mul3A = arith.constant 2 : i32
    %mul3A_0 = arith.muli %arg1, %mul3A : i32
    %add3A = arith.addi %mul3A_0, %arg0 : i32
    %mul3A_1 = arith.constant 6400 : i32
    %mul3A_2 = arith.muli %add3A, %mul3A_1 : i32
    "tpu.region"() ({
      %run_scoped3A = tpu.sem_alloc : memref<!tpu.dma_semaphore, #tpu.memory_space<semaphore_mem>>
      %dma_start3A_226 = tpu.memref_slice %arg3[%mul3A_2] : memref<204800xi32, #tpu.memory_space<hbm>> -> memref<6400xi32, #tpu.memory_space<hbm>>
      %dma_start3A_227 = tpu.memref_slice %arg3[%mul3A_2] : memref<204800xi32, #tpu.memory_space<hbm>> -> memref<6400xi32, #tpu.memory_space<hbm>>
      tpu.enqueue_dma source(%dma_start3A_227 : memref<6400xi32, #tpu.memory_space<hbm>>) target(%arg5 : memref<6400xi32, #tpu.memory_space<vmem>>) target_semaphore(%run_scoped3A : memref<!tpu.dma_semaphore, #tpu.memory_space<semaphore_mem>>)
      %dma_wait3A_228 = tpu.memref_slice %arg3[%mul3A_2] : memref<204800xi32, #tpu.memory_space<hbm>> -> memref<6400xi32, #tpu.memory_space<hbm>>
      %dma_wait3A_229 = tpu.memref_slice %arg3[%mul3A_2] : memref<204800xi32, #tpu.memory_space<hbm>> -> memref<6400xi32, #tpu.memory_space<hbm>>
      tpu.wait_dma2 semaphore(%run_scoped3A : memref<!tpu.dma_semaphore, #tpu.memory_space<semaphore_mem>>) src(%dma_wait3A_229 : memref<6400xi32, #tpu.memory_space<hbm>>) dst(%arg5 : memref<6400xi32, #tpu.memory_space<vmem>>)
      tpu.yield
    }) : () -> ()
    %dma_start3A = arith.constant 0 : i32
    %dma_start3A_3 = tpu.memref_slice %arg5[%dma_start3A] : memref<6400xi32, #tpu.memory_space<vmem>> -> memref<80xi32, #tpu.memory_space<vmem>>
    %dma_start3A_4 = arith.constant 0 : i32
    %dma_start3A_5 = arith.constant 0 : i32
    %dma_start3A_6 = tpu.memref_slice %arg2[%dma_start3A_4, %dma_start3A_5] : memref<100000x128xf32, #tpu.memory_space<hbm>> -> memref<100000x128xf32, #tpu.memory_space<hbm>>
    tpu.enqueue_indirect_dma source(%dma_start3A_6 : memref<100000x128xf32, #tpu.memory_space<hbm>>) target(%arg6 : memref<80x128xf32, #tpu.memory_space<vmem>>) offsets(%dma_start3A_3 : memref<80xi32, #tpu.memory_space<vmem>>) semaphore(%arg16 : memref<!tpu.dma_semaphore, #tpu.memory_space<semaphore_mem>>)
    %dma_start3A_7 = arith.constant 80 : i32
    %dma_start3A_8 = tpu.memref_slice %arg5[%dma_start3A_7] : memref<6400xi32, #tpu.memory_space<vmem>> -> memref<80xi32, #tpu.memory_space<vmem>>
    %dma_start3A_9 = arith.constant 0 : i32
    %dma_start3A_10 = arith.constant 0 : i32
    %dma_start3A_11 = tpu.memref_slice %arg2[%dma_start3A_9, %dma_start3A_10] : memref<100000x128xf32, #tpu.memory_space<hbm>> -> memref<100000x128xf32, #tpu.memory_space<hbm>>
    tpu.enqueue_indirect_dma source(%dma_start3A_11 : memref<100000x128xf32, #tpu.memory_space<hbm>>) target(%arg7 : memref<80x128xf32, #tpu.memory_space<vmem>>) offsets(%dma_start3A_8 : memref<80xi32, #tpu.memory_space<vmem>>) semaphore(%arg17 : memref<!tpu.dma_semaphore, #tpu.memory_space<semaphore_mem>>)
    %dma_start3A_12 = arith.constant 160 : i32
    %dma_start3A_13 = tpu.memref_slice %arg5[%dma_start3A_12] : memref<6400xi32, #tpu.memory_space<vmem>> -> memref<80xi32, #tpu.memory_space<vmem>>
    %dma_start3A_14 = arith.constant 0 : i32
    %dma_start3A_15 = arith.constant 0 : i32
    %dma_start3A_16 = tpu.memref_slice %arg2[%dma_start3A_14, %dma_start3A_15] : memref<100000x128xf32, #tpu.memory_space<hbm>> -> memref<100000x128xf32, #tpu.memory_space<hbm>>
    tpu.enqueue_indirect_dma source(%dma_start3A_16 : memref<100000x128xf32, #tpu.memory_space<hbm>>) target(%arg8 : memref<80x128xf32, #tpu.memory_space<vmem>>) offsets(%dma_start3A_13 : memref<80xi32, #tpu.memory_space<vmem>>) semaphore(%arg18 : memref<!tpu.dma_semaphore, #tpu.memory_space<semaphore_mem>>)
    %dma_start3A_17 = arith.constant 240 : i32
    %dma_start3A_18 = tpu.memref_slice %arg5[%dma_start3A_17] : memref<6400xi32, #tpu.memory_space<vmem>> -> memref<80xi32, #tpu.memory_space<vmem>>
    %dma_start3A_19 = arith.constant 0 : i32
    %dma_start3A_20 = arith.constant 0 : i32
    %dma_start3A_21 = tpu.memref_slice %arg2[%dma_start3A_19, %dma_start3A_20] : memref<100000x128xf32, #tpu.memory_space<hbm>> -> memref<100000x128xf32, #tpu.memory_space<hbm>>
    tpu.enqueue_indirect_dma source(%dma_start3A_21 : memref<100000x128xf32, #tpu.memory_space<hbm>>) target(%arg9 : memref<80x128xf32, #tpu.memory_space<vmem>>) offsets(%dma_start3A_18 : memref<80xi32, #tpu.memory_space<vmem>>) semaphore(%arg19 : memref<!tpu.dma_semaphore, #tpu.memory_space<semaphore_mem>>)
    %dma_start3A_22 = arith.constant 320 : i32
    %dma_start3A_23 = tpu.memref_slice %arg5[%dma_start3A_22] : memref<6400xi32, #tpu.memory_space<vmem>> -> memref<80xi32, #tpu.memory_space<vmem>>
    %dma_start3A_24 = arith.constant 0 : i32
    %dma_start3A_25 = arith.constant 0 : i32
    %dma_start3A_26 = tpu.memref_slice %arg2[%dma_start3A_24, %dma_start3A_25] : memref<100000x128xf32, #tpu.memory_space<hbm>> -> memref<100000x128xf32, #tpu.memory_space<hbm>>
    tpu.enqueue_indirect_dma source(%dma_start3A_26 : memref<100000x128xf32, #tpu.memory_space<hbm>>) target(%arg10 : memref<80x128xf32, #tpu.memory_space<vmem>>) offsets(%dma_start3A_23 : memref<80xi32, #tpu.memory_space<vmem>>) semaphore(%arg20 : memref<!tpu.dma_semaphore, #tpu.memory_space<semaphore_mem>>)
    %dma_start3A_27 = arith.constant 400 : i32
    %dma_start3A_28 = tpu.memref_slice %arg5[%dma_start3A_27] : memref<6400xi32, #tpu.memory_space<vmem>> -> memref<80xi32, #tpu.memory_space<vmem>>
    %dma_start3A_29 = arith.constant 0 : i32
    %dma_start3A_30 = arith.constant 0 : i32
    %dma_start3A_31 = tpu.memref_slice %arg2[%dma_start3A_29, %dma_start3A_30] : memref<100000x128xf32, #tpu.memory_space<hbm>> -> memref<100000x128xf32, #tpu.memory_space<hbm>>
    tpu.enqueue_indirect_dma source(%dma_start3A_31 : memref<100000x128xf32, #tpu.memory_space<hbm>>) target(%arg11 : memref<80x128xf32, #tpu.memory_space<vmem>>) offsets(%dma_start3A_28 : memref<80xi32, #tpu.memory_space<vmem>>) semaphore(%arg21 : memref<!tpu.dma_semaphore, #tpu.memory_space<semaphore_mem>>)
    %dma_start3A_32 = arith.constant 480 : i32
    %dma_start3A_33 = tpu.memref_slice %arg5[%dma_start3A_32] : memref<6400xi32, #tpu.memory_space<vmem>> -> memref<80xi32, #tpu.memory_space<vmem>>
    %dma_start3A_34 = arith.constant 0 : i32
    %dma_start3A_35 = arith.constant 0 : i32
    %dma_start3A_36 = tpu.memref_slice %arg2[%dma_start3A_34, %dma_start3A_35] : memref<100000x128xf32, #tpu.memory_space<hbm>> -> memref<100000x128xf32, #tpu.memory_space<hbm>>
    tpu.enqueue_indirect_dma source(%dma_start3A_36 : memref<100000x128xf32, #tpu.memory_space<hbm>>) target(%arg12 : memref<80x128xf32, #tpu.memory_space<vmem>>) offsets(%dma_start3A_33 : memref<80xi32, #tpu.memory_space<vmem>>) semaphore(%arg22 : memref<!tpu.dma_semaphore, #tpu.memory_space<semaphore_mem>>)
    %dma_start3A_37 = arith.constant 560 : i32
    %dma_start3A_38 = tpu.memref_slice %arg5[%dma_start3A_37] : memref<6400xi32, #tpu.memory_space<vmem>> -> memref<80xi32, #tpu.memory_space<vmem>>
    %dma_start3A_39 = arith.constant 0 : i32
    %dma_start3A_40 = arith.constant 0 : i32
    %dma_start3A_41 = tpu.memref_slice %arg2[%dma_start3A_39, %dma_start3A_40] : memref<100000x128xf32, #tpu.memory_space<hbm>> -> memref<100000x128xf32, #tpu.memory_space<hbm>>
    tpu.enqueue_indirect_dma source(%dma_start3A_41 : memref<100000x128xf32, #tpu.memory_space<hbm>>) target(%arg13 : memref<80x128xf32, #tpu.memory_space<vmem>>) offsets(%dma_start3A_38 : memref<80xi32, #tpu.memory_space<vmem>>) semaphore(%arg23 : memref<!tpu.dma_semaphore, #tpu.memory_space<semaphore_mem>>)
    %dma_wait3A = arith.constant 0 : i32
    %dma_wait3A_42 = tpu.memref_slice %arg5[%dma_wait3A] : memref<6400xi32, #tpu.memory_space<vmem>> -> memref<80xi32, #tpu.memory_space<vmem>>
    %dma_wait3A_43 = arith.constant 0 : i32
    %dma_wait3A_44 = arith.constant 0 : i32
    %dma_wait3A_45 = tpu.memref_slice %arg2[%dma_wait3A_43, %dma_wait3A_44] : memref<100000x128xf32, #tpu.memory_space<hbm>> -> memref<100000x128xf32, #tpu.memory_space<hbm>>
    tpu.wait_indirect_dma semaphore(%arg16 : memref<!tpu.dma_semaphore, #tpu.memory_space<semaphore_mem>>) src(%dma_wait3A_45 : memref<100000x128xf32, #tpu.memory_space<hbm>>) dst(%arg6 : memref<80x128xf32, #tpu.memory_space<vmem>>)
    %add3A_46 = arith.constant 0 : i32
    %add3A_47 = arith.addi %mul3A_2, %add3A_46 : i32
    %dma_start3A_48 = arith.constant 0 : i32
    %dma_start3A_49 = tpu.memref_slice %arg4[%add3A_47, %dma_start3A_48] : memref<204800x128xf32, #tpu.memory_space<hbm>> -> memref<80x128xf32, #tpu.memory_space<hbm>>
    %dma_start3A_50 = arith.constant 0 : i32
    %dma_start3A_51 = tpu.memref_slice %arg4[%add3A_47, %dma_start3A_50] : memref<204800x128xf32, #tpu.memory_space<hbm>> -> memref<80x128xf32, #tpu.memory_space<hbm>>
    tpu.enqueue_dma source(%arg6 : memref<80x128xf32, #tpu.memory_space<vmem>>) target(%dma_start3A_51 : memref<80x128xf32, #tpu.memory_space<hbm>>) target_semaphore(%arg26 : memref<!tpu.dma_semaphore, #tpu.memory_space<semaphore_mem>>)
    %dma_start3A_52 = arith.constant 640 : i32
    %dma_start3A_53 = tpu.memref_slice %arg5[%dma_start3A_52] : memref<6400xi32, #tpu.memory_space<vmem>> -> memref<80xi32, #tpu.memory_space<vmem>>
    %dma_start3A_54 = arith.constant 0 : i32
    %dma_start3A_55 = arith.constant 0 : i32
    %dma_start3A_56 = tpu.memref_slice %arg2[%dma_start3A_54, %dma_start3A_55] : memref<100000x128xf32, #tpu.memory_space<hbm>> -> memref<100000x128xf32, #tpu.memory_space<hbm>>
    tpu.enqueue_indirect_dma source(%dma_start3A_56 : memref<100000x128xf32, #tpu.memory_space<hbm>>) target(%arg14 : memref<80x128xf32, #tpu.memory_space<vmem>>) offsets(%dma_start3A_53 : memref<80xi32, #tpu.memory_space<vmem>>) semaphore(%arg24 : memref<!tpu.dma_semaphore, #tpu.memory_space<semaphore_mem>>)
    %dma_wait3A_57 = arith.constant 80 : i32
    %dma_wait3A_58 = tpu.memref_slice %arg5[%dma_wait3A_57] : memref<6400xi32, #tpu.memory_space<vmem>> -> memref<80xi32, #tpu.memory_space<vmem>>
    %dma_wait3A_59 = arith.constant 0 : i32
    %dma_wait3A_60 = arith.constant 0 : i32
    %dma_wait3A_61 = tpu.memref_slice %arg2[%dma_wait3A_59, %dma_wait3A_60] : memref<100000x128xf32, #tpu.memory_space<hbm>> -> memref<100000x128xf32, #tpu.memory_space<hbm>>
    tpu.wait_indirect_dma semaphore(%arg17 : memref<!tpu.dma_semaphore, #tpu.memory_space<semaphore_mem>>) src(%dma_wait3A_61 : memref<100000x128xf32, #tpu.memory_space<hbm>>) dst(%arg7 : memref<80x128xf32, #tpu.memory_space<vmem>>)
    %add3A_62 = arith.constant 80 : i32
    %add3A_63 = arith.addi %mul3A_2, %add3A_62 : i32
    %dma_start3A_64 = arith.constant 0 : i32
    %dma_start3A_65 = tpu.memref_slice %arg4[%add3A_63, %dma_start3A_64] : memref<204800x128xf32, #tpu.memory_space<hbm>> -> memref<80x128xf32, #tpu.memory_space<hbm>>
    %dma_start3A_66 = arith.constant 0 : i32
    %dma_start3A_67 = tpu.memref_slice %arg4[%add3A_63, %dma_start3A_66] : memref<204800x128xf32, #tpu.memory_space<hbm>> -> memref<80x128xf32, #tpu.memory_space<hbm>>
    tpu.enqueue_dma source(%arg7 : memref<80x128xf32, #tpu.memory_space<vmem>>) target(%dma_start3A_67 : memref<80x128xf32, #tpu.memory_space<hbm>>) target_semaphore(%arg27 : memref<!tpu.dma_semaphore, #tpu.memory_space<semaphore_mem>>)
    %dma_start3A_68 = arith.constant 720 : i32
    %dma_start3A_69 = tpu.memref_slice %arg5[%dma_start3A_68] : memref<6400xi32, #tpu.memory_space<vmem>> -> memref<80xi32, #tpu.memory_space<vmem>>
    %dma_start3A_70 = arith.constant 0 : i32
    %dma_start3A_71 = arith.constant 0 : i32
    %dma_start3A_72 = tpu.memref_slice %arg2[%dma_start3A_70, %dma_start3A_71] : memref<100000x128xf32, #tpu.memory_space<hbm>> -> memref<100000x128xf32, #tpu.memory_space<hbm>>
    tpu.enqueue_indirect_dma source(%dma_start3A_72 : memref<100000x128xf32, #tpu.memory_space<hbm>>) target(%arg15 : memref<80x128xf32, #tpu.memory_space<vmem>>) offsets(%dma_start3A_69 : memref<80xi32, #tpu.memory_space<vmem>>) semaphore(%arg25 : memref<!tpu.dma_semaphore, #tpu.memory_space<semaphore_mem>>)
    %scan3A = arith.constant 0 : i32
    %scan3A_73 = arith.constant 0 : i32
    %scan3A_74 = arith.constant 7 : i32
    %scan3A_75 = arith.addi %scan3A_73, %scan3A_74 : i32
    %scan3A_76 = arith.constant 1 : i32
    scf.for %scan3A_226 = %scan3A_73 to %scan3A_75 step %scan3A_76  : i32 {
      %mul3A_227 = arith.constant 10 : i32
      %mul3A_228 = arith.muli %scan3A_226, %mul3A_227 : i32
      %add3A_229 = arith.constant 2 : i32
      %add3A_230 = arith.addi %add3A_229, %mul3A_228 : i32
      %add3A_231 = arith.constant 0 : i32
      %add3A_232 = arith.addi %add3A_230, %add3A_231 : i32
      %mul3A_233 = arith.constant 80 : i32
      %mul3A_234 = arith.muli %add3A_232, %mul3A_233 : i32
      %dma_wait3A_235 = tpu.memref_slice %arg5[%mul3A_234] : memref<6400xi32, #tpu.memory_space<vmem>> -> memref<80xi32, #tpu.memory_space<vmem>>
      %dma_wait3A_236 = arith.constant 0 : i32
      %dma_wait3A_237 = arith.constant 0 : i32
      %dma_wait3A_238 = tpu.memref_slice %arg2[%dma_wait3A_236, %dma_wait3A_237] : memref<100000x128xf32, #tpu.memory_space<hbm>> -> memref<100000x128xf32, #tpu.memory_space<hbm>>
      tpu.wait_indirect_dma semaphore(%arg18 : memref<!tpu.dma_semaphore, #tpu.memory_space<semaphore_mem>>) src(%dma_wait3A_238 : memref<100000x128xf32, #tpu.memory_space<hbm>>) dst(%arg8 : memref<80x128xf32, #tpu.memory_space<vmem>>)
      %mul3A_239 = arith.constant 80 : i32
      %mul3A_240 = arith.muli %add3A_232, %mul3A_239 : i32
      %add3A_241 = arith.addi %mul3A_2, %mul3A_240 : i32
      %dma_start3A_242 = arith.constant 0 : i32
      %dma_start3A_243 = tpu.memref_slice %arg4[%add3A_241, %dma_start3A_242] : memref<204800x128xf32, #tpu.memory_space<hbm>> -> memref<80x128xf32, #tpu.memory_space<hbm>>
      %dma_start3A_244 = arith.constant 0 : i32
      %dma_start3A_245 = tpu.memref_slice %arg4[%add3A_241, %dma_start3A_244] : memref<204800x128xf32, #tpu.memory_space<hbm>> -> memref<80x128xf32, #tpu.memory_space<hbm>>
      tpu.enqueue_dma source(%arg8 : memref<80x128xf32, #tpu.memory_space<vmem>>) target(%dma_start3A_245 : memref<80x128xf32, #tpu.memory_space<hbm>>) target_semaphore(%arg28 : memref<!tpu.dma_semaphore, #tpu.memory_space<semaphore_mem>>)
      %add3A_246 = arith.constant 8 : i32
      %add3A_247 = arith.addi %add3A_232, %add3A_246 : i32
      %sub3A = arith.constant 10 : i32
      %sub3A_248 = arith.subi %add3A_247, %sub3A : i32
      %mul3A_249 = arith.constant 80 : i32
      %mul3A_250 = arith.muli %sub3A_248, %mul3A_249 : i32
      %add3A_251 = arith.addi %mul3A_2, %mul3A_250 : i32
      %dma_wait3A_252 = arith.constant 0 : i32
      %dma_wait3A_253 = tpu.memref_slice %arg4[%add3A_251, %dma_wait3A_252] : memref<204800x128xf32, #tpu.memory_space<hbm>> -> memref<80x128xf32, #tpu.memory_space<hbm>>
      %dma_wait3A_254 = arith.constant 0 : i32
      %dma_wait3A_255 = tpu.memref_slice %arg4[%add3A_251, %dma_wait3A_254] : memref<204800x128xf32, #tpu.memory_space<hbm>> -> memref<80x128xf32, #tpu.memory_space<hbm>>
      tpu.wait_dma2 semaphore(%arg26 : memref<!tpu.dma_semaphore, #tpu.memory_space<semaphore_mem>>) src(%arg6 : memref<80x128xf32, #tpu.memory_space<vmem>>) dst(%dma_wait3A_255 : memref<80x128xf32, #tpu.memory_space<hbm>>)
      %add3A_256 = arith.constant 8 : i32
      %add3A_257 = arith.addi %add3A_232, %add3A_256 : i32
      %mul3A_258 = arith.constant 80 : i32
      %mul3A_259 = arith.muli %add3A_257, %mul3A_258 : i32
      %dma_start3A_260 = tpu.memref_slice %arg5[%mul3A_259] : memref<6400xi32, #tpu.memory_space<vmem>> -> memref<80xi32, #tpu.memory_space<vmem>>
      %dma_start3A_261 = arith.constant 0 : i32
      %dma_start3A_262 = arith.constant 0 : i32
      %dma_start3A_263 = tpu.memref_slice %arg2[%dma_start3A_261, %dma_start3A_262] : memref<100000x128xf32, #tpu.memory_space<hbm>> -> memref<100000x128xf32, #tpu.memory_space<hbm>>
      tpu.enqueue_indirect_dma source(%dma_start3A_263 : memref<100000x128xf32, #tpu.memory_space<hbm>>) target(%arg6 : memref<80x128xf32, #tpu.memory_space<vmem>>) offsets(%dma_start3A_260 : memref<80xi32, #tpu.memory_space<vmem>>) semaphore(%arg16 : memref<!tpu.dma_semaphore, #tpu.memory_space<semaphore_mem>>)
      %mul3A_264 = arith.constant 10 : i32
      %mul3A_265 = arith.muli %scan3A_226, %mul3A_264 : i32
      %add3A_266 = arith.constant 2 : i32
      %add3A_267 = arith.addi %add3A_266, %mul3A_265 : i32
      %add3A_268 = arith.constant 1 : i32
      %add3A_269 = arith.addi %add3A_267, %add3A_268 : i32
      %mul3A_270 = arith.constant 80 : i32
      %mul3A_271 = arith.muli %add3A_269, %mul3A_270 : i32
      %dma_wait3A_272 = tpu.memref_slice %arg5[%mul3A_271] : memref<6400xi32, #tpu.memory_space<vmem>> -> memref<80xi32, #tpu.memory_space<vmem>>
      %dma_wait3A_273 = arith.constant 0 : i32
      %dma_wait3A_274 = arith.constant 0 : i32
      %dma_wait3A_275 = tpu.memref_slice %arg2[%dma_wait3A_273, %dma_wait3A_274] : memref<100000x128xf32, #tpu.memory_space<hbm>> -> memref<100000x128xf32, #tpu.memory_space<hbm>>
      tpu.wait_indirect_dma semaphore(%arg19 : memref<!tpu.dma_semaphore, #tpu.memory_space<semaphore_mem>>) src(%dma_wait3A_275 : memref<100000x128xf32, #tpu.memory_space<hbm>>) dst(%arg9 : memref<80x128xf32, #tpu.memory_space<vmem>>)
      %mul3A_276 = arith.constant 80 : i32
      %mul3A_277 = arith.muli %add3A_269, %mul3A_276 : i32
      %add3A_278 = arith.addi %mul3A_2, %mul3A_277 : i32
      %dma_start3A_279 = arith.constant 0 : i32
      %dma_start3A_280 = tpu.memref_slice %arg4[%add3A_278, %dma_start3A_279] : memref<204800x128xf32, #tpu.memory_space<hbm>> -> memref<80x128xf32, #tpu.memory_space<hbm>>
      %dma_start3A_281 = arith.constant 0 : i32
      %dma_start3A_282 = tpu.memref_slice %arg4[%add3A_278, %dma_start3A_281] : memref<204800x128xf32, #tpu.memory_space<hbm>> -> memref<80x128xf32, #tpu.memory_space<hbm>>
      tpu.enqueue_dma source(%arg9 : memref<80x128xf32, #tpu.memory_space<vmem>>) target(%dma_start3A_282 : memref<80x128xf32, #tpu.memory_space<hbm>>) target_semaphore(%arg29 : memref<!tpu.dma_semaphore, #tpu.memory_space<semaphore_mem>>)
      %add3A_283 = arith.constant 8 : i32
      %add3A_284 = arith.addi %add3A_269, %add3A_283 : i32
      %sub3A_285 = arith.constant 10 : i32
      %sub3A_286 = arith.subi %add3A_284, %sub3A_285 : i32
      %mul3A_287 = arith.constant 80 : i32
      %mul3A_288 = arith.muli %sub3A_286, %mul3A_287 : i32
      %add3A_289 = arith.addi %mul3A_2, %mul3A_288 : i32
      %dma_wait3A_290 = arith.constant 0 : i32
      %dma_wait3A_291 = tpu.memref_slice %arg4[%add3A_289, %dma_wait3A_290] : memref<204800x128xf32, #tpu.memory_space<hbm>> -> memref<80x128xf32, #tpu.memory_space<hbm>>
      %dma_wait3A_292 = arith.constant 0 : i32
      %dma_wait3A_293 = tpu.memref_slice %arg4[%add3A_289, %dma_wait3A_292] : memref<204800x128xf32, #tpu.memory_space<hbm>> -> memref<80x128xf32, #tpu.memory_space<hbm>>
      tpu.wait_dma2 semaphore(%arg27 : memref<!tpu.dma_semaphore, #tpu.memory_space<semaphore_mem>>) src(%arg7 : memref<80x128xf32, #tpu.memory_space<vmem>>) dst(%dma_wait3A_293 : memref<80x128xf32, #tpu.memory_space<hbm>>)
      %add3A_294 = arith.constant 8 : i32
      %add3A_295 = arith.addi %add3A_269, %add3A_294 : i32
      %mul3A_296 = arith.constant 80 : i32
      %mul3A_297 = arith.muli %add3A_295, %mul3A_296 : i32
      %dma_start3A_298 = tpu.memref_slice %arg5[%mul3A_297] : memref<6400xi32, #tpu.memory_space<vmem>> -> memref<80xi32, #tpu.memory_space<vmem>>
      %dma_start3A_299 = arith.constant 0 : i32
      %dma_start3A_300 = arith.constant 0 : i32
      %dma_start3A_301 = tpu.memref_slice %arg2[%dma_start3A_299, %dma_start3A_300] : memref<100000x128xf32, #tpu.memory_space<hbm>> -> memref<100000x128xf32, #tpu.memory_space<hbm>>
      tpu.enqueue_indirect_dma source(%dma_start3A_301 : memref<100000x128xf32, #tpu.memory_space<hbm>>) target(%arg7 : memref<80x128xf32, #tpu.memory_space<vmem>>) offsets(%dma_start3A_298 : memref<80xi32, #tpu.memory_space<vmem>>) semaphore(%arg17 : memref<!tpu.dma_semaphore, #tpu.memory_space<semaphore_mem>>)
      %mul3A_302 = arith.constant 10 : i32
      %mul3A_303 = arith.muli %scan3A_226, %mul3A_302 : i32
      %add3A_304 = arith.constant 2 : i32
      %add3A_305 = arith.addi %add3A_304, %mul3A_303 : i32
      %add3A_306 = arith.constant 2 : i32
      %add3A_307 = arith.addi %add3A_305, %add3A_306 : i32
      %mul3A_308 = arith.constant 80 : i32
      %mul3A_309 = arith.muli %add3A_307, %mul3A_308 : i32
      %dma_wait3A_310 = tpu.memref_slice %arg5[%mul3A_309] : memref<6400xi32, #tpu.memory_space<vmem>> -> memref<80xi32, #tpu.memory_space<vmem>>
      %dma_wait3A_311 = arith.constant 0 : i32
      %dma_wait3A_312 = arith.constant 0 : i32
      %dma_wait3A_313 = tpu.memref_slice %arg2[%dma_wait3A_311, %dma_wait3A_312] : memref<100000x128xf32, #tpu.memory_space<hbm>> -> memref<100000x128xf32, #tpu.memory_space<hbm>>
      tpu.wait_indirect_dma semaphore(%arg20 : memref<!tpu.dma_semaphore, #tpu.memory_space<semaphore_mem>>) src(%dma_wait3A_313 : memref<100000x128xf32, #tpu.memory_space<hbm>>) dst(%arg10 : memref<80x128xf32, #tpu.memory_space<vmem>>)
      %mul3A_314 = arith.constant 80 : i32
      %mul3A_315 = arith.muli %add3A_307, %mul3A_314 : i32
      %add3A_316 = arith.addi %mul3A_2, %mul3A_315 : i32
      %dma_start3A_317 = arith.constant 0 : i32
      %dma_start3A_318 = tpu.memref_slice %arg4[%add3A_316, %dma_start3A_317] : memref<204800x128xf32, #tpu.memory_space<hbm>> -> memref<80x128xf32, #tpu.memory_space<hbm>>
      %dma_start3A_319 = arith.constant 0 : i32
      %dma_start3A_320 = tpu.memref_slice %arg4[%add3A_316, %dma_start3A_319] : memref<204800x128xf32, #tpu.memory_space<hbm>> -> memref<80x128xf32, #tpu.memory_space<hbm>>
      tpu.enqueue_dma source(%arg10 : memref<80x128xf32, #tpu.memory_space<vmem>>) target(%dma_start3A_320 : memref<80x128xf32, #tpu.memory_space<hbm>>) target_semaphore(%arg30 : memref<!tpu.dma_semaphore, #tpu.memory_space<semaphore_mem>>)
      %add3A_321 = arith.constant 8 : i32
      %add3A_322 = arith.addi %add3A_307, %add3A_321 : i32
      %sub3A_323 = arith.constant 10 : i32
      %sub3A_324 = arith.subi %add3A_322, %sub3A_323 : i32
      %mul3A_325 = arith.constant 80 : i32
      %mul3A_326 = arith.muli %sub3A_324, %mul3A_325 : i32
      %add3A_327 = arith.addi %mul3A_2, %mul3A_326 : i32
      %dma_wait3A_328 = arith.constant 0 : i32
      %dma_wait3A_329 = tpu.memref_slice %arg4[%add3A_327, %dma_wait3A_328] : memref<204800x128xf32, #tpu.memory_space<hbm>> -> memref<80x128xf32, #tpu.memory_space<hbm>>
      %dma_wait3A_330 = arith.constant 0 : i32
      %dma_wait3A_331 = tpu.memref_slice %arg4[%add3A_327, %dma_wait3A_330] : memref<204800x128xf32, #tpu.memory_space<hbm>> -> memref<80x128xf32, #tpu.memory_space<hbm>>
      tpu.wait_dma2 semaphore(%arg28 : memref<!tpu.dma_semaphore, #tpu.memory_space<semaphore_mem>>) src(%arg8 : memref<80x128xf32, #tpu.memory_space<vmem>>) dst(%dma_wait3A_331 : memref<80x128xf32, #tpu.memory_space<hbm>>)
      %add3A_332 = arith.constant 8 : i32
      %add3A_333 = arith.addi %add3A_307, %add3A_332 : i32
      %mul3A_334 = arith.constant 80 : i32
      %mul3A_335 = arith.muli %add3A_333, %mul3A_334 : i32
      %dma_start3A_336 = tpu.memref_slice %arg5[%mul3A_335] : memref<6400xi32, #tpu.memory_space<vmem>> -> memref<80xi32, #tpu.memory_space<vmem>>
      %dma_start3A_337 = arith.constant 0 : i32
      %dma_start3A_338 = arith.constant 0 : i32
      %dma_start3A_339 = tpu.memref_slice %arg2[%dma_start3A_337, %dma_start3A_338] : memref<100000x128xf32, #tpu.memory_space<hbm>> -> memref<100000x128xf32, #tpu.memory_space<hbm>>
      tpu.enqueue_indirect_dma source(%dma_start3A_339 : memref<100000x128xf32, #tpu.memory_space<hbm>>) target(%arg8 : memref<80x128xf32, #tpu.memory_space<vmem>>) offsets(%dma_start3A_336 : memref<80xi32, #tpu.memory_space<vmem>>) semaphore(%arg18 : memref<!tpu.dma_semaphore, #tpu.memory_space<semaphore_mem>>)
      %mul3A_340 = arith.constant 10 : i32
      %mul3A_341 = arith.muli %scan3A_226, %mul3A_340 : i32
      %add3A_342 = arith.constant 2 : i32
      %add3A_343 = arith.addi %add3A_342, %mul3A_341 : i32
      %add3A_344 = arith.constant 3 : i32
      %add3A_345 = arith.addi %add3A_343, %add3A_344 : i32
      %mul3A_346 = arith.constant 80 : i32
      %mul3A_347 = arith.muli %add3A_345, %mul3A_346 : i32
      %dma_wait3A_348 = tpu.memref_slice %arg5[%mul3A_347] : memref<6400xi32, #tpu.memory_space<vmem>> -> memref<80xi32, #tpu.memory_space<vmem>>
      %dma_wait3A_349 = arith.constant 0 : i32
      %dma_wait3A_350 = arith.constant 0 : i32
      %dma_wait3A_351 = tpu.memref_slice %arg2[%dma_wait3A_349, %dma_wait3A_350] : memref<100000x128xf32, #tpu.memory_space<hbm>> -> memref<100000x128xf32, #tpu.memory_space<hbm>>
      tpu.wait_indirect_dma semaphore(%arg21 : memref<!tpu.dma_semaphore, #tpu.memory_space<semaphore_mem>>) src(%dma_wait3A_351 : memref<100000x128xf32, #tpu.memory_space<hbm>>) dst(%arg11 : memref<80x128xf32, #tpu.memory_space<vmem>>)
      %mul3A_352 = arith.constant 80 : i32
      %mul3A_353 = arith.muli %add3A_345, %mul3A_352 : i32
      %add3A_354 = arith.addi %mul3A_2, %mul3A_353 : i32
      %dma_start3A_355 = arith.constant 0 : i32
      %dma_start3A_356 = tpu.memref_slice %arg4[%add3A_354, %dma_start3A_355] : memref<204800x128xf32, #tpu.memory_space<hbm>> -> memref<80x128xf32, #tpu.memory_space<hbm>>
      %dma_start3A_357 = arith.constant 0 : i32
      %dma_start3A_358 = tpu.memref_slice %arg4[%add3A_354, %dma_start3A_357] : memref<204800x128xf32, #tpu.memory_space<hbm>> -> memref<80x128xf32, #tpu.memory_space<hbm>>
      tpu.enqueue_dma source(%arg11 : memref<80x128xf32, #tpu.memory_space<vmem>>) target(%dma_start3A_358 : memref<80x128xf32, #tpu.memory_space<hbm>>) target_semaphore(%arg31 : memref<!tpu.dma_semaphore, #tpu.memory_space<semaphore_mem>>)
      %add3A_359 = arith.constant 8 : i32
      %add3A_360 = arith.addi %add3A_345, %add3A_359 : i32
      %sub3A_361 = arith.constant 10 : i32
      %sub3A_362 = arith.subi %add3A_360, %sub3A_361 : i32
      %mul3A_363 = arith.constant 80 : i32
      %mul3A_364 = arith.muli %sub3A_362, %mul3A_363 : i32
      %add3A_365 = arith.addi %mul3A_2, %mul3A_364 : i32
      %dma_wait3A_366 = arith.constant 0 : i32
      %dma_wait3A_367 = tpu.memref_slice %arg4[%add3A_365, %dma_wait3A_366] : memref<204800x128xf32, #tpu.memory_space<hbm>> -> memref<80x128xf32, #tpu.memory_space<hbm>>
      %dma_wait3A_368 = arith.constant 0 : i32
      %dma_wait3A_369 = tpu.memref_slice %arg4[%add3A_365, %dma_wait3A_368] : memref<204800x128xf32, #tpu.memory_space<hbm>> -> memref<80x128xf32, #tpu.memory_space<hbm>>
      tpu.wait_dma2 semaphore(%arg29 : memref<!tpu.dma_semaphore, #tpu.memory_space<semaphore_mem>>) src(%arg9 : memref<80x128xf32, #tpu.memory_space<vmem>>) dst(%dma_wait3A_369 : memref<80x128xf32, #tpu.memory_space<hbm>>)
      %add3A_370 = arith.constant 8 : i32
      %add3A_371 = arith.addi %add3A_345, %add3A_370 : i32
      %mul3A_372 = arith.constant 80 : i32
      %mul3A_373 = arith.muli %add3A_371, %mul3A_372 : i32
      %dma_start3A_374 = tpu.memref_slice %arg5[%mul3A_373] : memref<6400xi32, #tpu.memory_space<vmem>> -> memref<80xi32, #tpu.memory_space<vmem>>
      %dma_start3A_375 = arith.constant 0 : i32
      %dma_start3A_376 = arith.constant 0 : i32
      %dma_start3A_377 = tpu.memref_slice %arg2[%dma_start3A_375, %dma_start3A_376] : memref<100000x128xf32, #tpu.memory_space<hbm>> -> memref<100000x128xf32, #tpu.memory_space<hbm>>
      tpu.enqueue_indirect_dma source(%dma_start3A_377 : memref<100000x128xf32, #tpu.memory_space<hbm>>) target(%arg9 : memref<80x128xf32, #tpu.memory_space<vmem>>) offsets(%dma_start3A_374 : memref<80xi32, #tpu.memory_space<vmem>>) semaphore(%arg19 : memref<!tpu.dma_semaphore, #tpu.memory_space<semaphore_mem>>)
      %mul3A_378 = arith.constant 10 : i32
      %mul3A_379 = arith.muli %scan3A_226, %mul3A_378 : i32
      %add3A_380 = arith.constant 2 : i32
      %add3A_381 = arith.addi %add3A_380, %mul3A_379 : i32
      %add3A_382 = arith.constant 4 : i32
      %add3A_383 = arith.addi %add3A_381, %add3A_382 : i32
      %mul3A_384 = arith.constant 80 : i32
      %mul3A_385 = arith.muli %add3A_383, %mul3A_384 : i32
      %dma_wait3A_386 = tpu.memref_slice %arg5[%mul3A_385] : memref<6400xi32, #tpu.memory_space<vmem>> -> memref<80xi32, #tpu.memory_space<vmem>>
      %dma_wait3A_387 = arith.constant 0 : i32
      %dma_wait3A_388 = arith.constant 0 : i32
      %dma_wait3A_389 = tpu.memref_slice %arg2[%dma_wait3A_387, %dma_wait3A_388] : memref<100000x128xf32, #tpu.memory_space<hbm>> -> memref<100000x128xf32, #tpu.memory_space<hbm>>
      tpu.wait_indirect_dma semaphore(%arg22 : memref<!tpu.dma_semaphore, #tpu.memory_space<semaphore_mem>>) src(%dma_wait3A_389 : memref<100000x128xf32, #tpu.memory_space<hbm>>) dst(%arg12 : memref<80x128xf32, #tpu.memory_space<vmem>>)
      %mul3A_390 = arith.constant 80 : i32
      %mul3A_391 = arith.muli %add3A_383, %mul3A_390 : i32
      %add3A_392 = arith.addi %mul3A_2, %mul3A_391 : i32
      %dma_start3A_393 = arith.constant 0 : i32
      %dma_start3A_394 = tpu.memref_slice %arg4[%add3A_392, %dma_start3A_393] : memref<204800x128xf32, #tpu.memory_space<hbm>> -> memref<80x128xf32, #tpu.memory_space<hbm>>
      %dma_start3A_395 = arith.constant 0 : i32
      %dma_start3A_396 = tpu.memref_slice %arg4[%add3A_392, %dma_start3A_395] : memref<204800x128xf32, #tpu.memory_space<hbm>> -> memref<80x128xf32, #tpu.memory_space<hbm>>
      tpu.enqueue_dma source(%arg12 : memref<80x128xf32, #tpu.memory_space<vmem>>) target(%dma_start3A_396 : memref<80x128xf32, #tpu.memory_space<hbm>>) target_semaphore(%arg32 : memref<!tpu.dma_semaphore, #tpu.memory_space<semaphore_mem>>)
      %add3A_397 = arith.constant 8 : i32
      %add3A_398 = arith.addi %add3A_383, %add3A_397 : i32
      %sub3A_399 = arith.constant 10 : i32
      %sub3A_400 = arith.subi %add3A_398, %sub3A_399 : i32
      %mul3A_401 = arith.constant 80 : i32
      %mul3A_402 = arith.muli %sub3A_400, %mul3A_401 : i32
      %add3A_403 = arith.addi %mul3A_2, %mul3A_402 : i32
      %dma_wait3A_404 = arith.constant 0 : i32
      %dma_wait3A_405 = tpu.memref_slice %arg4[%add3A_403, %dma_wait3A_404] : memref<204800x128xf32, #tpu.memory_space<hbm>> -> memref<80x128xf32, #tpu.memory_space<hbm>>
      %dma_wait3A_406 = arith.constant 0 : i32
      %dma_wait3A_407 = tpu.memref_slice %arg4[%add3A_403, %dma_wait3A_406] : memref<204800x128xf32, #tpu.memory_space<hbm>> -> memref<80x128xf32, #tpu.memory_space<hbm>>
      tpu.wait_dma2 semaphore(%arg30 : memref<!tpu.dma_semaphore, #tpu.memory_space<semaphore_mem>>) src(%arg10 : memref<80x128xf32, #tpu.memory_space<vmem>>) dst(%dma_wait3A_407 : memref<80x128xf32, #tpu.memory_space<hbm>>)
      %add3A_408 = arith.constant 8 : i32
      %add3A_409 = arith.addi %add3A_383, %add3A_408 : i32
      %mul3A_410 = arith.constant 80 : i32
      %mul3A_411 = arith.muli %add3A_409, %mul3A_410 : i32
      %dma_start3A_412 = tpu.memref_slice %arg5[%mul3A_411] : memref<6400xi32, #tpu.memory_space<vmem>> -> memref<80xi32, #tpu.memory_space<vmem>>
      %dma_start3A_413 = arith.constant 0 : i32
      %dma_start3A_414 = arith.constant 0 : i32
      %dma_start3A_415 = tpu.memref_slice %arg2[%dma_start3A_413, %dma_start3A_414] : memref<100000x128xf32, #tpu.memory_space<hbm>> -> memref<100000x128xf32, #tpu.memory_space<hbm>>
      tpu.enqueue_indirect_dma source(%dma_start3A_415 : memref<100000x128xf32, #tpu.memory_space<hbm>>) target(%arg10 : memref<80x128xf32, #tpu.memory_space<vmem>>) offsets(%dma_start3A_412 : memref<80xi32, #tpu.memory_space<vmem>>) semaphore(%arg20 : memref<!tpu.dma_semaphore, #tpu.memory_space<semaphore_mem>>)
      %mul3A_416 = arith.constant 10 : i32
      %mul3A_417 = arith.muli %scan3A_226, %mul3A_416 : i32
      %add3A_418 = arith.constant 2 : i32
      %add3A_419 = arith.addi %add3A_418, %mul3A_417 : i32
      %add3A_420 = arith.constant 5 : i32
      %add3A_421 = arith.addi %add3A_419, %add3A_420 : i32
      %mul3A_422 = arith.constant 80 : i32
      %mul3A_423 = arith.muli %add3A_421, %mul3A_422 : i32
      %dma_wait3A_424 = tpu.memref_slice %arg5[%mul3A_423] : memref<6400xi32, #tpu.memory_space<vmem>> -> memref<80xi32, #tpu.memory_space<vmem>>
      %dma_wait3A_425 = arith.constant 0 : i32
      %dma_wait3A_426 = arith.constant 0 : i32
      %dma_wait3A_427 = tpu.memref_slice %arg2[%dma_wait3A_425, %dma_wait3A_426] : memref<100000x128xf32, #tpu.memory_space<hbm>> -> memref<100000x128xf32, #tpu.memory_space<hbm>>
      tpu.wait_indirect_dma semaphore(%arg23 : memref<!tpu.dma_semaphore, #tpu.memory_space<semaphore_mem>>) src(%dma_wait3A_427 : memref<100000x128xf32, #tpu.memory_space<hbm>>) dst(%arg13 : memref<80x128xf32, #tpu.memory_space<vmem>>)
      %mul3A_428 = arith.constant 80 : i32
      %mul3A_429 = arith.muli %add3A_421, %mul3A_428 : i32
      %add3A_430 = arith.addi %mul3A_2, %mul3A_429 : i32
      %dma_start3A_431 = arith.constant 0 : i32
      %dma_start3A_432 = tpu.memref_slice %arg4[%add3A_430, %dma_start3A_431] : memref<204800x128xf32, #tpu.memory_space<hbm>> -> memref<80x128xf32, #tpu.memory_space<hbm>>
      %dma_start3A_433 = arith.constant 0 : i32
      %dma_start3A_434 = tpu.memref_slice %arg4[%add3A_430, %dma_start3A_433] : memref<204800x128xf32, #tpu.memory_space<hbm>> -> memref<80x128xf32, #tpu.memory_space<hbm>>
      tpu.enqueue_dma source(%arg13 : memref<80x128xf32, #tpu.memory_space<vmem>>) target(%dma_start3A_434 : memref<80x128xf32, #tpu.memory_space<hbm>>) target_semaphore(%arg33 : memref<!tpu.dma_semaphore, #tpu.memory_space<semaphore_mem>>)
      %add3A_435 = arith.constant 8 : i32
      %add3A_436 = arith.addi %add3A_421, %add3A_435 : i32
      %sub3A_437 = arith.constant 10 : i32
      %sub3A_438 = arith.subi %add3A_436, %sub3A_437 : i32
      %mul3A_439 = arith.constant 80 : i32
      %mul3A_440 = arith.muli %sub3A_438, %mul3A_439 : i32
      %add3A_441 = arith.addi %mul3A_2, %mul3A_440 : i32
      %dma_wait3A_442 = arith.constant 0 : i32
      %dma_wait3A_443 = tpu.memref_slice %arg4[%add3A_441, %dma_wait3A_442] : memref<204800x128xf32, #tpu.memory_space<hbm>> -> memref<80x128xf32, #tpu.memory_space<hbm>>
      %dma_wait3A_444 = arith.constant 0 : i32
      %dma_wait3A_445 = tpu.memref_slice %arg4[%add3A_441, %dma_wait3A_444] : memref<204800x128xf32, #tpu.memory_space<hbm>> -> memref<80x128xf32, #tpu.memory_space<hbm>>
      tpu.wait_dma2 semaphore(%arg31 : memref<!tpu.dma_semaphore, #tpu.memory_space<semaphore_mem>>) src(%arg11 : memref<80x128xf32, #tpu.memory_space<vmem>>) dst(%dma_wait3A_445 : memref<80x128xf32, #tpu.memory_space<hbm>>)
      %add3A_446 = arith.constant 8 : i32
      %add3A_447 = arith.addi %add3A_421, %add3A_446 : i32
      %mul3A_448 = arith.constant 80 : i32
      %mul3A_449 = arith.muli %add3A_447, %mul3A_448 : i32
      %dma_start3A_450 = tpu.memref_slice %arg5[%mul3A_449] : memref<6400xi32, #tpu.memory_space<vmem>> -> memref<80xi32, #tpu.memory_space<vmem>>
      %dma_start3A_451 = arith.constant 0 : i32
      %dma_start3A_452 = arith.constant 0 : i32
      %dma_start3A_453 = tpu.memref_slice %arg2[%dma_start3A_451, %dma_start3A_452] : memref<100000x128xf32, #tpu.memory_space<hbm>> -> memref<100000x128xf32, #tpu.memory_space<hbm>>
      tpu.enqueue_indirect_dma source(%dma_start3A_453 : memref<100000x128xf32, #tpu.memory_space<hbm>>) target(%arg11 : memref<80x128xf32, #tpu.memory_space<vmem>>) offsets(%dma_start3A_450 : memref<80xi32, #tpu.memory_space<vmem>>) semaphore(%arg21 : memref<!tpu.dma_semaphore, #tpu.memory_space<semaphore_mem>>)
      %mul3A_454 = arith.constant 10 : i32
      %mul3A_455 = arith.muli %scan3A_226, %mul3A_454 : i32
      %add3A_456 = arith.constant 2 : i32
      %add3A_457 = arith.addi %add3A_456, %mul3A_455 : i32
      %add3A_458 = arith.constant 6 : i32
      %add3A_459 = arith.addi %add3A_457, %add3A_458 : i32
      %mul3A_460 = arith.constant 80 : i32
      %mul3A_461 = arith.muli %add3A_459, %mul3A_460 : i32
      %dma_wait3A_462 = tpu.memref_slice %arg5[%mul3A_461] : memref<6400xi32, #tpu.memory_space<vmem>> -> memref<80xi32, #tpu.memory_space<vmem>>
      %dma_wait3A_463 = arith.constant 0 : i32
      %dma_wait3A_464 = arith.constant 0 : i32
      %dma_wait3A_465 = tpu.memref_slice %arg2[%dma_wait3A_463, %dma_wait3A_464] : memref<100000x128xf32, #tpu.memory_space<hbm>> -> memref<100000x128xf32, #tpu.memory_space<hbm>>
      tpu.wait_indirect_dma semaphore(%arg24 : memref<!tpu.dma_semaphore, #tpu.memory_space<semaphore_mem>>) src(%dma_wait3A_465 : memref<100000x128xf32, #tpu.memory_space<hbm>>) dst(%arg14 : memref<80x128xf32, #tpu.memory_space<vmem>>)
      %mul3A_466 = arith.constant 80 : i32
      %mul3A_467 = arith.muli %add3A_459, %mul3A_466 : i32
      %add3A_468 = arith.addi %mul3A_2, %mul3A_467 : i32
      %dma_start3A_469 = arith.constant 0 : i32
      %dma_start3A_470 = tpu.memref_slice %arg4[%add3A_468, %dma_start3A_469] : memref<204800x128xf32, #tpu.memory_space<hbm>> -> memref<80x128xf32, #tpu.memory_space<hbm>>
      %dma_start3A_471 = arith.constant 0 : i32
      %dma_start3A_472 = tpu.memref_slice %arg4[%add3A_468, %dma_start3A_471] : memref<204800x128xf32, #tpu.memory_space<hbm>> -> memref<80x128xf32, #tpu.memory_space<hbm>>
      tpu.enqueue_dma source(%arg14 : memref<80x128xf32, #tpu.memory_space<vmem>>) target(%dma_start3A_472 : memref<80x128xf32, #tpu.memory_space<hbm>>) target_semaphore(%arg34 : memref<!tpu.dma_semaphore, #tpu.memory_space<semaphore_mem>>)
      %add3A_473 = arith.constant 8 : i32
      %add3A_474 = arith.addi %add3A_459, %add3A_473 : i32
      %sub3A_475 = arith.constant 10 : i32
      %sub3A_476 = arith.subi %add3A_474, %sub3A_475 : i32
      %mul3A_477 = arith.constant 80 : i32
      %mul3A_478 = arith.muli %sub3A_476, %mul3A_477 : i32
      %add3A_479 = arith.addi %mul3A_2, %mul3A_478 : i32
      %dma_wait3A_480 = arith.constant 0 : i32
      %dma_wait3A_481 = tpu.memref_slice %arg4[%add3A_479, %dma_wait3A_480] : memref<204800x128xf32, #tpu.memory_space<hbm>> -> memref<80x128xf32, #tpu.memory_space<hbm>>
      %dma_wait3A_482 = arith.constant 0 : i32
      %dma_wait3A_483 = tpu.memref_slice %arg4[%add3A_479, %dma_wait3A_482] : memref<204800x128xf32, #tpu.memory_space<hbm>> -> memref<80x128xf32, #tpu.memory_space<hbm>>
      tpu.wait_dma2 semaphore(%arg32 : memref<!tpu.dma_semaphore, #tpu.memory_space<semaphore_mem>>) src(%arg12 : memref<80x128xf32, #tpu.memory_space<vmem>>) dst(%dma_wait3A_483 : memref<80x128xf32, #tpu.memory_space<hbm>>)
      %add3A_484 = arith.constant 8 : i32
      %add3A_485 = arith.addi %add3A_459, %add3A_484 : i32
      %mul3A_486 = arith.constant 80 : i32
      %mul3A_487 = arith.muli %add3A_485, %mul3A_486 : i32
      %dma_start3A_488 = tpu.memref_slice %arg5[%mul3A_487] : memref<6400xi32, #tpu.memory_space<vmem>> -> memref<80xi32, #tpu.memory_space<vmem>>
      %dma_start3A_489 = arith.constant 0 : i32
      %dma_start3A_490 = arith.constant 0 : i32
      %dma_start3A_491 = tpu.memref_slice %arg2[%dma_start3A_489, %dma_start3A_490] : memref<100000x128xf32, #tpu.memory_space<hbm>> -> memref<100000x128xf32, #tpu.memory_space<hbm>>
      tpu.enqueue_indirect_dma source(%dma_start3A_491 : memref<100000x128xf32, #tpu.memory_space<hbm>>) target(%arg12 : memref<80x128xf32, #tpu.memory_space<vmem>>) offsets(%dma_start3A_488 : memref<80xi32, #tpu.memory_space<vmem>>) semaphore(%arg22 : memref<!tpu.dma_semaphore, #tpu.memory_space<semaphore_mem>>)
      %mul3A_492 = arith.constant 10 : i32
      %mul3A_493 = arith.muli %scan3A_226, %mul3A_492 : i32
      %add3A_494 = arith.constant 2 : i32
      %add3A_495 = arith.addi %add3A_494, %mul3A_493 : i32
      %add3A_496 = arith.constant 7 : i32
      %add3A_497 = arith.addi %add3A_495, %add3A_496 : i32
      %mul3A_498 = arith.constant 80 : i32
      %mul3A_499 = arith.muli %add3A_497, %mul3A_498 : i32
      %dma_wait3A_500 = tpu.memref_slice %arg5[%mul3A_499] : memref<6400xi32, #tpu.memory_space<vmem>> -> memref<80xi32, #tpu.memory_space<vmem>>
      %dma_wait3A_501 = arith.constant 0 : i32
      %dma_wait3A_502 = arith.constant 0 : i32
      %dma_wait3A_503 = tpu.memref_slice %arg2[%dma_wait3A_501, %dma_wait3A_502] : memref<100000x128xf32, #tpu.memory_space<hbm>> -> memref<100000x128xf32, #tpu.memory_space<hbm>>
      tpu.wait_indirect_dma semaphore(%arg25 : memref<!tpu.dma_semaphore, #tpu.memory_space<semaphore_mem>>) src(%dma_wait3A_503 : memref<100000x128xf32, #tpu.memory_space<hbm>>) dst(%arg15 : memref<80x128xf32, #tpu.memory_space<vmem>>)
      %mul3A_504 = arith.constant 80 : i32
      %mul3A_505 = arith.muli %add3A_497, %mul3A_504 : i32
      %add3A_506 = arith.addi %mul3A_2, %mul3A_505 : i32
      %dma_start3A_507 = arith.constant 0 : i32
      %dma_start3A_508 = tpu.memref_slice %arg4[%add3A_506, %dma_start3A_507] : memref<204800x128xf32, #tpu.memory_space<hbm>> -> memref<80x128xf32, #tpu.memory_space<hbm>>
      %dma_start3A_509 = arith.constant 0 : i32
      %dma_start3A_510 = tpu.memref_slice %arg4[%add3A_506, %dma_start3A_509] : memref<204800x128xf32, #tpu.memory_space<hbm>> -> memref<80x128xf32, #tpu.memory_space<hbm>>
      tpu.enqueue_dma source(%arg15 : memref<80x128xf32, #tpu.memory_space<vmem>>) target(%dma_start3A_510 : memref<80x128xf32, #tpu.memory_space<hbm>>) target_semaphore(%arg35 : memref<!tpu.dma_semaphore, #tpu.memory_space<semaphore_mem>>)
      %add3A_511 = arith.constant 8 : i32
      %add3A_512 = arith.addi %add3A_497, %add3A_511 : i32
      %sub3A_513 = arith.constant 10 : i32
      %sub3A_514 = arith.subi %add3A_512, %sub3A_513 : i32
      %mul3A_515 = arith.constant 80 : i32
      %mul3A_516 = arith.muli %sub3A_514, %mul3A_515 : i32
      %add3A_517 = arith.addi %mul3A_2, %mul3A_516 : i32
      %dma_wait3A_518 = arith.constant 0 : i32
      %dma_wait3A_519 = tpu.memref_slice %arg4[%add3A_517, %dma_wait3A_518] : memref<204800x128xf32, #tpu.memory_space<hbm>> -> memref<80x128xf32, #tpu.memory_space<hbm>>
      %dma_wait3A_520 = arith.constant 0 : i32
      %dma_wait3A_521 = tpu.memref_slice %arg4[%add3A_517, %dma_wait3A_520] : memref<204800x128xf32, #tpu.memory_space<hbm>> -> memref<80x128xf32, #tpu.memory_space<hbm>>
      tpu.wait_dma2 semaphore(%arg33 : memref<!tpu.dma_semaphore, #tpu.memory_space<semaphore_mem>>) src(%arg13 : memref<80x128xf32, #tpu.memory_space<vmem>>) dst(%dma_wait3A_521 : memref<80x128xf32, #tpu.memory_space<hbm>>)
      %add3A_522 = arith.constant 8 : i32
      %add3A_523 = arith.addi %add3A_497, %add3A_522 : i32
      %mul3A_524 = arith.constant 80 : i32
      %mul3A_525 = arith.muli %add3A_523, %mul3A_524 : i32
      %dma_start3A_526 = tpu.memref_slice %arg5[%mul3A_525] : memref<6400xi32, #tpu.memory_space<vmem>> -> memref<80xi32, #tpu.memory_space<vmem>>
      %dma_start3A_527 = arith.constant 0 : i32
      %dma_start3A_528 = arith.constant 0 : i32
      %dma_start3A_529 = tpu.memref_slice %arg2[%dma_start3A_527, %dma_start3A_528] : memref<100000x128xf32, #tpu.memory_space<hbm>> -> memref<100000x128xf32, #tpu.memory_space<hbm>>
      tpu.enqueue_indirect_dma source(%dma_start3A_529 : memref<100000x128xf32, #tpu.memory_space<hbm>>) target(%arg13 : memref<80x128xf32, #tpu.memory_space<vmem>>) offsets(%dma_start3A_526 : memref<80xi32, #tpu.memory_space<vmem>>) semaphore(%arg23 : memref<!tpu.dma_semaphore, #tpu.memory_space<semaphore_mem>>)
      %mul3A_530 = arith.constant 10 : i32
      %mul3A_531 = arith.muli %scan3A_226, %mul3A_530 : i32
      %add3A_532 = arith.constant 2 : i32
      %add3A_533 = arith.addi %add3A_532, %mul3A_531 : i32
      %add3A_534 = arith.constant 8 : i32
      %add3A_535 = arith.addi %add3A_533, %add3A_534 : i32
      %mul3A_536 = arith.constant 80 : i32
      %mul3A_537 = arith.muli %add3A_535, %mul3A_536 : i32
      %dma_wait3A_538 = tpu.memref_slice %arg5[%mul3A_537] : memref<6400xi32, #tpu.memory_space<vmem>> -> memref<80xi32, #tpu.memory_space<vmem>>
      %dma_wait3A_539 = arith.constant 0 : i32
      %dma_wait3A_540 = arith.constant 0 : i32
      %dma_wait3A_541 = tpu.memref_slice %arg2[%dma_wait3A_539, %dma_wait3A_540] : memref<100000x128xf32, #tpu.memory_space<hbm>> -> memref<100000x128xf32, #tpu.memory_space<hbm>>
      tpu.wait_indirect_dma semaphore(%arg16 : memref<!tpu.dma_semaphore, #tpu.memory_space<semaphore_mem>>) src(%dma_wait3A_541 : memref<100000x128xf32, #tpu.memory_space<hbm>>) dst(%arg6 : memref<80x128xf32, #tpu.memory_space<vmem>>)
      %mul3A_542 = arith.constant 80 : i32
      %mul3A_543 = arith.muli %add3A_535, %mul3A_542 : i32
      %add3A_544 = arith.addi %mul3A_2, %mul3A_543 : i32
      %dma_start3A_545 = arith.constant 0 : i32
      %dma_start3A_546 = tpu.memref_slice %arg4[%add3A_544, %dma_start3A_545] : memref<204800x128xf32, #tpu.memory_space<hbm>> -> memref<80x128xf32, #tpu.memory_space<hbm>>
      %dma_start3A_547 = arith.constant 0 : i32
      %dma_start3A_548 = tpu.memref_slice %arg4[%add3A_544, %dma_start3A_547] : memref<204800x128xf32, #tpu.memory_space<hbm>> -> memref<80x128xf32, #tpu.memory_space<hbm>>
      tpu.enqueue_dma source(%arg6 : memref<80x128xf32, #tpu.memory_space<vmem>>) target(%dma_start3A_548 : memref<80x128xf32, #tpu.memory_space<hbm>>) target_semaphore(%arg26 : memref<!tpu.dma_semaphore, #tpu.memory_space<semaphore_mem>>)
      %add3A_549 = arith.constant 8 : i32
      %add3A_550 = arith.addi %add3A_535, %add3A_549 : i32
      %sub3A_551 = arith.constant 10 : i32
      %sub3A_552 = arith.subi %add3A_550, %sub3A_551 : i32
      %mul3A_553 = arith.constant 80 : i32
      %mul3A_554 = arith.muli %sub3A_552, %mul3A_553 : i32
      %add3A_555 = arith.addi %mul3A_2, %mul3A_554 : i32
      %dma_wait3A_556 = arith.constant 0 : i32
      %dma_wait3A_557 = tpu.memref_slice %arg4[%add3A_555, %dma_wait3A_556] : memref<204800x128xf32, #tpu.memory_space<hbm>> -> memref<80x128xf32, #tpu.memory_space<hbm>>
      %dma_wait3A_558 = arith.constant 0 : i32
      %dma_wait3A_559 = tpu.memref_slice %arg4[%add3A_555, %dma_wait3A_558] : memref<204800x128xf32, #tpu.memory_space<hbm>> -> memref<80x128xf32, #tpu.memory_space<hbm>>
      tpu.wait_dma2 semaphore(%arg34 : memref<!tpu.dma_semaphore, #tpu.memory_space<semaphore_mem>>) src(%arg14 : memref<80x128xf32, #tpu.memory_space<vmem>>) dst(%dma_wait3A_559 : memref<80x128xf32, #tpu.memory_space<hbm>>)
      %add3A_560 = arith.constant 8 : i32
      %add3A_561 = arith.addi %add3A_535, %add3A_560 : i32
      %mul3A_562 = arith.constant 80 : i32
      %mul3A_563 = arith.muli %add3A_561, %mul3A_562 : i32
      %dma_start3A_564 = tpu.memref_slice %arg5[%mul3A_563] : memref<6400xi32, #tpu.memory_space<vmem>> -> memref<80xi32, #tpu.memory_space<vmem>>
      %dma_start3A_565 = arith.constant 0 : i32
      %dma_start3A_566 = arith.constant 0 : i32
      %dma_start3A_567 = tpu.memref_slice %arg2[%dma_start3A_565, %dma_start3A_566] : memref<100000x128xf32, #tpu.memory_space<hbm>> -> memref<100000x128xf32, #tpu.memory_space<hbm>>
      tpu.enqueue_indirect_dma source(%dma_start3A_567 : memref<100000x128xf32, #tpu.memory_space<hbm>>) target(%arg14 : memref<80x128xf32, #tpu.memory_space<vmem>>) offsets(%dma_start3A_564 : memref<80xi32, #tpu.memory_space<vmem>>) semaphore(%arg24 : memref<!tpu.dma_semaphore, #tpu.memory_space<semaphore_mem>>)
      %mul3A_568 = arith.constant 10 : i32
      %mul3A_569 = arith.muli %scan3A_226, %mul3A_568 : i32
      %add3A_570 = arith.constant 2 : i32
      %add3A_571 = arith.addi %add3A_570, %mul3A_569 : i32
      %add3A_572 = arith.constant 9 : i32
      %add3A_573 = arith.addi %add3A_571, %add3A_572 : i32
      %mul3A_574 = arith.constant 80 : i32
      %mul3A_575 = arith.muli %add3A_573, %mul3A_574 : i32
      %dma_wait3A_576 = tpu.memref_slice %arg5[%mul3A_575] : memref<6400xi32, #tpu.memory_space<vmem>> -> memref<80xi32, #tpu.memory_space<vmem>>
      %dma_wait3A_577 = arith.constant 0 : i32
      %dma_wait3A_578 = arith.constant 0 : i32
      %dma_wait3A_579 = tpu.memref_slice %arg2[%dma_wait3A_577, %dma_wait3A_578] : memref<100000x128xf32, #tpu.memory_space<hbm>> -> memref<100000x128xf32, #tpu.memory_space<hbm>>
      tpu.wait_indirect_dma semaphore(%arg17 : memref<!tpu.dma_semaphore, #tpu.memory_space<semaphore_mem>>) src(%dma_wait3A_579 : memref<100000x128xf32, #tpu.memory_space<hbm>>) dst(%arg7 : memref<80x128xf32, #tpu.memory_space<vmem>>)
      %mul3A_580 = arith.constant 80 : i32
      %mul3A_581 = arith.muli %add3A_573, %mul3A_580 : i32
      %add3A_582 = arith.addi %mul3A_2, %mul3A_581 : i32
      %dma_start3A_583 = arith.constant 0 : i32
      %dma_start3A_584 = tpu.memref_slice %arg4[%add3A_582, %dma_start3A_583] : memref<204800x128xf32, #tpu.memory_space<hbm>> -> memref<80x128xf32, #tpu.memory_space<hbm>>
      %dma_start3A_585 = arith.constant 0 : i32
      %dma_start3A_586 = tpu.memref_slice %arg4[%add3A_582, %dma_start3A_585] : memref<204800x128xf32, #tpu.memory_space<hbm>> -> memref<80x128xf32, #tpu.memory_space<hbm>>
      tpu.enqueue_dma source(%arg7 : memref<80x128xf32, #tpu.memory_space<vmem>>) target(%dma_start3A_586 : memref<80x128xf32, #tpu.memory_space<hbm>>) target_semaphore(%arg27 : memref<!tpu.dma_semaphore, #tpu.memory_space<semaphore_mem>>)
      %add3A_587 = arith.constant 8 : i32
      %add3A_588 = arith.addi %add3A_573, %add3A_587 : i32
      %sub3A_589 = arith.constant 10 : i32
      %sub3A_590 = arith.subi %add3A_588, %sub3A_589 : i32
      %mul3A_591 = arith.constant 80 : i32
      %mul3A_592 = arith.muli %sub3A_590, %mul3A_591 : i32
      %add3A_593 = arith.addi %mul3A_2, %mul3A_592 : i32
      %dma_wait3A_594 = arith.constant 0 : i32
      %dma_wait3A_595 = tpu.memref_slice %arg4[%add3A_593, %dma_wait3A_594] : memref<204800x128xf32, #tpu.memory_space<hbm>> -> memref<80x128xf32, #tpu.memory_space<hbm>>
      %dma_wait3A_596 = arith.constant 0 : i32
      %dma_wait3A_597 = tpu.memref_slice %arg4[%add3A_593, %dma_wait3A_596] : memref<204800x128xf32, #tpu.memory_space<hbm>> -> memref<80x128xf32, #tpu.memory_space<hbm>>
      tpu.wait_dma2 semaphore(%arg35 : memref<!tpu.dma_semaphore, #tpu.memory_space<semaphore_mem>>) src(%arg15 : memref<80x128xf32, #tpu.memory_space<vmem>>) dst(%dma_wait3A_597 : memref<80x128xf32, #tpu.memory_space<hbm>>)
      %add3A_598 = arith.constant 8 : i32
      %add3A_599 = arith.addi %add3A_573, %add3A_598 : i32
      %mul3A_600 = arith.constant 80 : i32
      %mul3A_601 = arith.muli %add3A_599, %mul3A_600 : i32
      %dma_start3A_602 = tpu.memref_slice %arg5[%mul3A_601] : memref<6400xi32, #tpu.memory_space<vmem>> -> memref<80xi32, #tpu.memory_space<vmem>>
      %dma_start3A_603 = arith.constant 0 : i32
      %dma_start3A_604 = arith.constant 0 : i32
      %dma_start3A_605 = tpu.memref_slice %arg2[%dma_start3A_603, %dma_start3A_604] : memref<100000x128xf32, #tpu.memory_space<hbm>> -> memref<100000x128xf32, #tpu.memory_space<hbm>>
      tpu.enqueue_indirect_dma source(%dma_start3A_605 : memref<100000x128xf32, #tpu.memory_space<hbm>>) target(%arg15 : memref<80x128xf32, #tpu.memory_space<vmem>>) offsets(%dma_start3A_602 : memref<80xi32, #tpu.memory_space<vmem>>) semaphore(%arg25 : memref<!tpu.dma_semaphore, #tpu.memory_space<semaphore_mem>>)
    }
    %scan3A_77 = arith.constant 7 : i32
    %dma_wait3A_78 = arith.constant 5760 : i32
    %dma_wait3A_79 = tpu.memref_slice %arg5[%dma_wait3A_78] : memref<6400xi32, #tpu.memory_space<vmem>> -> memref<80xi32, #tpu.memory_space<vmem>>
    %dma_wait3A_80 = arith.constant 0 : i32
    %dma_wait3A_81 = arith.constant 0 : i32
    %dma_wait3A_82 = tpu.memref_slice %arg2[%dma_wait3A_80, %dma_wait3A_81] : memref<100000x128xf32, #tpu.memory_space<hbm>> -> memref<100000x128xf32, #tpu.memory_space<hbm>>
    tpu.wait_indirect_dma semaphore(%arg18 : memref<!tpu.dma_semaphore, #tpu.memory_space<semaphore_mem>>) src(%dma_wait3A_82 : memref<100000x128xf32, #tpu.memory_space<hbm>>) dst(%arg8 : memref<80x128xf32, #tpu.memory_space<vmem>>)
    %add3A_83 = arith.constant 5760 : i32
    %add3A_84 = arith.addi %mul3A_2, %add3A_83 : i32
    %dma_start3A_85 = arith.constant 0 : i32
    %dma_start3A_86 = tpu.memref_slice %arg4[%add3A_84, %dma_start3A_85] : memref<204800x128xf32, #tpu.memory_space<hbm>> -> memref<80x128xf32, #tpu.memory_space<hbm>>
    %dma_start3A_87 = arith.constant 0 : i32
    %dma_start3A_88 = tpu.memref_slice %arg4[%add3A_84, %dma_start3A_87] : memref<204800x128xf32, #tpu.memory_space<hbm>> -> memref<80x128xf32, #tpu.memory_space<hbm>>
    tpu.enqueue_dma source(%arg8 : memref<80x128xf32, #tpu.memory_space<vmem>>) target(%dma_start3A_88 : memref<80x128xf32, #tpu.memory_space<hbm>>) target_semaphore(%arg28 : memref<!tpu.dma_semaphore, #tpu.memory_space<semaphore_mem>>)
    %add3A_89 = arith.constant 5600 : i32
    %add3A_90 = arith.addi %mul3A_2, %add3A_89 : i32
    %dma_wait3A_91 = arith.constant 0 : i32
    %dma_wait3A_92 = tpu.memref_slice %arg4[%add3A_90, %dma_wait3A_91] : memref<204800x128xf32, #tpu.memory_space<hbm>> -> memref<80x128xf32, #tpu.memory_space<hbm>>
    %dma_wait3A_93 = arith.constant 0 : i32
    %dma_wait3A_94 = tpu.memref_slice %arg4[%add3A_90, %dma_wait3A_93] : memref<204800x128xf32, #tpu.memory_space<hbm>> -> memref<80x128xf32, #tpu.memory_space<hbm>>
    tpu.wait_dma2 semaphore(%arg26 : memref<!tpu.dma_semaphore, #tpu.memory_space<semaphore_mem>>) src(%arg6 : memref<80x128xf32, #tpu.memory_space<vmem>>) dst(%dma_wait3A_94 : memref<80x128xf32, #tpu.memory_space<hbm>>)
    %dma_wait3A_95 = arith.constant 5840 : i32
    %dma_wait3A_96 = tpu.memref_slice %arg5[%dma_wait3A_95] : memref<6400xi32, #tpu.memory_space<vmem>> -> memref<80xi32, #tpu.memory_space<vmem>>
    %dma_wait3A_97 = arith.constant 0 : i32
    %dma_wait3A_98 = arith.constant 0 : i32
    %dma_wait3A_99 = tpu.memref_slice %arg2[%dma_wait3A_97, %dma_wait3A_98] : memref<100000x128xf32, #tpu.memory_space<hbm>> -> memref<100000x128xf32, #tpu.memory_space<hbm>>
    tpu.wait_indirect_dma semaphore(%arg19 : memref<!tpu.dma_semaphore, #tpu.memory_space<semaphore_mem>>) src(%dma_wait3A_99 : memref<100000x128xf32, #tpu.memory_space<hbm>>) dst(%arg9 : memref<80x128xf32, #tpu.memory_space<vmem>>)
    %add3A_100 = arith.constant 5840 : i32
    %add3A_101 = arith.addi %mul3A_2, %add3A_100 : i32
    %dma_start3A_102 = arith.constant 0 : i32
    %dma_start3A_103 = tpu.memref_slice %arg4[%add3A_101, %dma_start3A_102] : memref<204800x128xf32, #tpu.memory_space<hbm>> -> memref<80x128xf32, #tpu.memory_space<hbm>>
    %dma_start3A_104 = arith.constant 0 : i32
    %dma_start3A_105 = tpu.memref_slice %arg4[%add3A_101, %dma_start3A_104] : memref<204800x128xf32, #tpu.memory_space<hbm>> -> memref<80x128xf32, #tpu.memory_space<hbm>>
    tpu.enqueue_dma source(%arg9 : memref<80x128xf32, #tpu.memory_space<vmem>>) target(%dma_start3A_105 : memref<80x128xf32, #tpu.memory_space<hbm>>) target_semaphore(%arg29 : memref<!tpu.dma_semaphore, #tpu.memory_space<semaphore_mem>>)
    %add3A_106 = arith.constant 5680 : i32
    %add3A_107 = arith.addi %mul3A_2, %add3A_106 : i32
    %dma_wait3A_108 = arith.constant 0 : i32
    %dma_wait3A_109 = tpu.memref_slice %arg4[%add3A_107, %dma_wait3A_108] : memref<204800x128xf32, #tpu.memory_space<hbm>> -> memref<80x128xf32, #tpu.memory_space<hbm>>
    %dma_wait3A_110 = arith.constant 0 : i32
    %dma_wait3A_111 = tpu.memref_slice %arg4[%add3A_107, %dma_wait3A_110] : memref<204800x128xf32, #tpu.memory_space<hbm>> -> memref<80x128xf32, #tpu.memory_space<hbm>>
    tpu.wait_dma2 semaphore(%arg27 : memref<!tpu.dma_semaphore, #tpu.memory_space<semaphore_mem>>) src(%arg7 : memref<80x128xf32, #tpu.memory_space<vmem>>) dst(%dma_wait3A_111 : memref<80x128xf32, #tpu.memory_space<hbm>>)
    %dma_wait3A_112 = arith.constant 5920 : i32
    %dma_wait3A_113 = tpu.memref_slice %arg5[%dma_wait3A_112] : memref<6400xi32, #tpu.memory_space<vmem>> -> memref<80xi32, #tpu.memory_space<vmem>>
    %dma_wait3A_114 = arith.constant 0 : i32
    %dma_wait3A_115 = arith.constant 0 : i32
    %dma_wait3A_116 = tpu.memref_slice %arg2[%dma_wait3A_114, %dma_wait3A_115] : memref<100000x128xf32, #tpu.memory_space<hbm>> -> memref<100000x128xf32, #tpu.memory_space<hbm>>
    tpu.wait_indirect_dma semaphore(%arg20 : memref<!tpu.dma_semaphore, #tpu.memory_space<semaphore_mem>>) src(%dma_wait3A_116 : memref<100000x128xf32, #tpu.memory_space<hbm>>) dst(%arg10 : memref<80x128xf32, #tpu.memory_space<vmem>>)
    %add3A_117 = arith.constant 5920 : i32
    %add3A_118 = arith.addi %mul3A_2, %add3A_117 : i32
    %dma_start3A_119 = arith.constant 0 : i32
    %dma_start3A_120 = tpu.memref_slice %arg4[%add3A_118, %dma_start3A_119] : memref<204800x128xf32, #tpu.memory_space<hbm>> -> memref<80x128xf32, #tpu.memory_space<hbm>>
    %dma_start3A_121 = arith.constant 0 : i32
    %dma_start3A_122 = tpu.memref_slice %arg4[%add3A_118, %dma_start3A_121] : memref<204800x128xf32, #tpu.memory_space<hbm>> -> memref<80x128xf32, #tpu.memory_space<hbm>>
    tpu.enqueue_dma source(%arg10 : memref<80x128xf32, #tpu.memory_space<vmem>>) target(%dma_start3A_122 : memref<80x128xf32, #tpu.memory_space<hbm>>) target_semaphore(%arg30 : memref<!tpu.dma_semaphore, #tpu.memory_space<semaphore_mem>>)
    %add3A_123 = arith.constant 5760 : i32
    %add3A_124 = arith.addi %mul3A_2, %add3A_123 : i32
    %dma_wait3A_125 = arith.constant 0 : i32
    %dma_wait3A_126 = tpu.memref_slice %arg4[%add3A_124, %dma_wait3A_125] : memref<204800x128xf32, #tpu.memory_space<hbm>> -> memref<80x128xf32, #tpu.memory_space<hbm>>
    %dma_wait3A_127 = arith.constant 0 : i32
    %dma_wait3A_128 = tpu.memref_slice %arg4[%add3A_124, %dma_wait3A_127] : memref<204800x128xf32, #tpu.memory_space<hbm>> -> memref<80x128xf32, #tpu.memory_space<hbm>>
    tpu.wait_dma2 semaphore(%arg28 : memref<!tpu.dma_semaphore, #tpu.memory_space<semaphore_mem>>) src(%arg8 : memref<80x128xf32, #tpu.memory_space<vmem>>) dst(%dma_wait3A_128 : memref<80x128xf32, #tpu.memory_space<hbm>>)
    %dma_wait3A_129 = arith.constant 6000 : i32
    %dma_wait3A_130 = tpu.memref_slice %arg5[%dma_wait3A_129] : memref<6400xi32, #tpu.memory_space<vmem>> -> memref<80xi32, #tpu.memory_space<vmem>>
    %dma_wait3A_131 = arith.constant 0 : i32
    %dma_wait3A_132 = arith.constant 0 : i32
    %dma_wait3A_133 = tpu.memref_slice %arg2[%dma_wait3A_131, %dma_wait3A_132] : memref<100000x128xf32, #tpu.memory_space<hbm>> -> memref<100000x128xf32, #tpu.memory_space<hbm>>
    tpu.wait_indirect_dma semaphore(%arg21 : memref<!tpu.dma_semaphore, #tpu.memory_space<semaphore_mem>>) src(%dma_wait3A_133 : memref<100000x128xf32, #tpu.memory_space<hbm>>) dst(%arg11 : memref<80x128xf32, #tpu.memory_space<vmem>>)
    %add3A_134 = arith.constant 6000 : i32
    %add3A_135 = arith.addi %mul3A_2, %add3A_134 : i32
    %dma_start3A_136 = arith.constant 0 : i32
    %dma_start3A_137 = tpu.memref_slice %arg4[%add3A_135, %dma_start3A_136] : memref<204800x128xf32, #tpu.memory_space<hbm>> -> memref<80x128xf32, #tpu.memory_space<hbm>>
    %dma_start3A_138 = arith.constant 0 : i32
    %dma_start3A_139 = tpu.memref_slice %arg4[%add3A_135, %dma_start3A_138] : memref<204800x128xf32, #tpu.memory_space<hbm>> -> memref<80x128xf32, #tpu.memory_space<hbm>>
    tpu.enqueue_dma source(%arg11 : memref<80x128xf32, #tpu.memory_space<vmem>>) target(%dma_start3A_139 : memref<80x128xf32, #tpu.memory_space<hbm>>) target_semaphore(%arg31 : memref<!tpu.dma_semaphore, #tpu.memory_space<semaphore_mem>>)
    %add3A_140 = arith.constant 5840 : i32
    %add3A_141 = arith.addi %mul3A_2, %add3A_140 : i32
    %dma_wait3A_142 = arith.constant 0 : i32
    %dma_wait3A_143 = tpu.memref_slice %arg4[%add3A_141, %dma_wait3A_142] : memref<204800x128xf32, #tpu.memory_space<hbm>> -> memref<80x128xf32, #tpu.memory_space<hbm>>
    %dma_wait3A_144 = arith.constant 0 : i32
    %dma_wait3A_145 = tpu.memref_slice %arg4[%add3A_141, %dma_wait3A_144] : memref<204800x128xf32, #tpu.memory_space<hbm>> -> memref<80x128xf32, #tpu.memory_space<hbm>>
    tpu.wait_dma2 semaphore(%arg29 : memref<!tpu.dma_semaphore, #tpu.memory_space<semaphore_mem>>) src(%arg9 : memref<80x128xf32, #tpu.memory_space<vmem>>) dst(%dma_wait3A_145 : memref<80x128xf32, #tpu.memory_space<hbm>>)
    %dma_wait3A_146 = arith.constant 6080 : i32
    %dma_wait3A_147 = tpu.memref_slice %arg5[%dma_wait3A_146] : memref<6400xi32, #tpu.memory_space<vmem>> -> memref<80xi32, #tpu.memory_space<vmem>>
    %dma_wait3A_148 = arith.constant 0 : i32
    %dma_wait3A_149 = arith.constant 0 : i32
    %dma_wait3A_150 = tpu.memref_slice %arg2[%dma_wait3A_148, %dma_wait3A_149] : memref<100000x128xf32, #tpu.memory_space<hbm>> -> memref<100000x128xf32, #tpu.memory_space<hbm>>
    tpu.wait_indirect_dma semaphore(%arg22 : memref<!tpu.dma_semaphore, #tpu.memory_space<semaphore_mem>>) src(%dma_wait3A_150 : memref<100000x128xf32, #tpu.memory_space<hbm>>) dst(%arg12 : memref<80x128xf32, #tpu.memory_space<vmem>>)
    %add3A_151 = arith.constant 6080 : i32
    %add3A_152 = arith.addi %mul3A_2, %add3A_151 : i32
    %dma_start3A_153 = arith.constant 0 : i32
    %dma_start3A_154 = tpu.memref_slice %arg4[%add3A_152, %dma_start3A_153] : memref<204800x128xf32, #tpu.memory_space<hbm>> -> memref<80x128xf32, #tpu.memory_space<hbm>>
    %dma_start3A_155 = arith.constant 0 : i32
    %dma_start3A_156 = tpu.memref_slice %arg4[%add3A_152, %dma_start3A_155] : memref<204800x128xf32, #tpu.memory_space<hbm>> -> memref<80x128xf32, #tpu.memory_space<hbm>>
    tpu.enqueue_dma source(%arg12 : memref<80x128xf32, #tpu.memory_space<vmem>>) target(%dma_start3A_156 : memref<80x128xf32, #tpu.memory_space<hbm>>) target_semaphore(%arg32 : memref<!tpu.dma_semaphore, #tpu.memory_space<semaphore_mem>>)
    %add3A_157 = arith.constant 5920 : i32
    %add3A_158 = arith.addi %mul3A_2, %add3A_157 : i32
    %dma_wait3A_159 = arith.constant 0 : i32
    %dma_wait3A_160 = tpu.memref_slice %arg4[%add3A_158, %dma_wait3A_159] : memref<204800x128xf32, #tpu.memory_space<hbm>> -> memref<80x128xf32, #tpu.memory_space<hbm>>
    %dma_wait3A_161 = arith.constant 0 : i32
    %dma_wait3A_162 = tpu.memref_slice %arg4[%add3A_158, %dma_wait3A_161] : memref<204800x128xf32, #tpu.memory_space<hbm>> -> memref<80x128xf32, #tpu.memory_space<hbm>>
    tpu.wait_dma2 semaphore(%arg30 : memref<!tpu.dma_semaphore, #tpu.memory_space<semaphore_mem>>) src(%arg10 : memref<80x128xf32, #tpu.memory_space<vmem>>) dst(%dma_wait3A_162 : memref<80x128xf32, #tpu.memory_space<hbm>>)
    %dma_wait3A_163 = arith.constant 6160 : i32
    %dma_wait3A_164 = tpu.memref_slice %arg5[%dma_wait3A_163] : memref<6400xi32, #tpu.memory_space<vmem>> -> memref<80xi32, #tpu.memory_space<vmem>>
    %dma_wait3A_165 = arith.constant 0 : i32
    %dma_wait3A_166 = arith.constant 0 : i32
    %dma_wait3A_167 = tpu.memref_slice %arg2[%dma_wait3A_165, %dma_wait3A_166] : memref<100000x128xf32, #tpu.memory_space<hbm>> -> memref<100000x128xf32, #tpu.memory_space<hbm>>
    tpu.wait_indirect_dma semaphore(%arg23 : memref<!tpu.dma_semaphore, #tpu.memory_space<semaphore_mem>>) src(%dma_wait3A_167 : memref<100000x128xf32, #tpu.memory_space<hbm>>) dst(%arg13 : memref<80x128xf32, #tpu.memory_space<vmem>>)
    %add3A_168 = arith.constant 6160 : i32
    %add3A_169 = arith.addi %mul3A_2, %add3A_168 : i32
    %dma_start3A_170 = arith.constant 0 : i32
    %dma_start3A_171 = tpu.memref_slice %arg4[%add3A_169, %dma_start3A_170] : memref<204800x128xf32, #tpu.memory_space<hbm>> -> memref<80x128xf32, #tpu.memory_space<hbm>>
    %dma_start3A_172 = arith.constant 0 : i32
    %dma_start3A_173 = tpu.memref_slice %arg4[%add3A_169, %dma_start3A_172] : memref<204800x128xf32, #tpu.memory_space<hbm>> -> memref<80x128xf32, #tpu.memory_space<hbm>>
    tpu.enqueue_dma source(%arg13 : memref<80x128xf32, #tpu.memory_space<vmem>>) target(%dma_start3A_173 : memref<80x128xf32, #tpu.memory_space<hbm>>) target_semaphore(%arg33 : memref<!tpu.dma_semaphore, #tpu.memory_space<semaphore_mem>>)
    %add3A_174 = arith.constant 6000 : i32
    %add3A_175 = arith.addi %mul3A_2, %add3A_174 : i32
    %dma_wait3A_176 = arith.constant 0 : i32
    %dma_wait3A_177 = tpu.memref_slice %arg4[%add3A_175, %dma_wait3A_176] : memref<204800x128xf32, #tpu.memory_space<hbm>> -> memref<80x128xf32, #tpu.memory_space<hbm>>
    %dma_wait3A_178 = arith.constant 0 : i32
    %dma_wait3A_179 = tpu.memref_slice %arg4[%add3A_175, %dma_wait3A_178] : memref<204800x128xf32, #tpu.memory_space<hbm>> -> memref<80x128xf32, #tpu.memory_space<hbm>>
    tpu.wait_dma2 semaphore(%arg31 : memref<!tpu.dma_semaphore, #tpu.memory_space<semaphore_mem>>) src(%arg11 : memref<80x128xf32, #tpu.memory_space<vmem>>) dst(%dma_wait3A_179 : memref<80x128xf32, #tpu.memory_space<hbm>>)
    %dma_wait3A_180 = arith.constant 6240 : i32
    %dma_wait3A_181 = tpu.memref_slice %arg5[%dma_wait3A_180] : memref<6400xi32, #tpu.memory_space<vmem>> -> memref<80xi32, #tpu.memory_space<vmem>>
    %dma_wait3A_182 = arith.constant 0 : i32
    %dma_wait3A_183 = arith.constant 0 : i32
    %dma_wait3A_184 = tpu.memref_slice %arg2[%dma_wait3A_182, %dma_wait3A_183] : memref<100000x128xf32, #tpu.memory_space<hbm>> -> memref<100000x128xf32, #tpu.memory_space<hbm>>
    tpu.wait_indirect_dma semaphore(%arg24 : memref<!tpu.dma_semaphore, #tpu.memory_space<semaphore_mem>>) src(%dma_wait3A_184 : memref<100000x128xf32, #tpu.memory_space<hbm>>) dst(%arg14 : memref<80x128xf32, #tpu.memory_space<vmem>>)
    %add3A_185 = arith.constant 6240 : i32
    %add3A_186 = arith.addi %mul3A_2, %add3A_185 : i32
    %dma_start3A_187 = arith.constant 0 : i32
    %dma_start3A_188 = tpu.memref_slice %arg4[%add3A_186, %dma_start3A_187] : memref<204800x128xf32, #tpu.memory_space<hbm>> -> memref<80x128xf32, #tpu.memory_space<hbm>>
    %dma_start3A_189 = arith.constant 0 : i32
    %dma_start3A_190 = tpu.memref_slice %arg4[%add3A_186, %dma_start3A_189] : memref<204800x128xf32, #tpu.memory_space<hbm>> -> memref<80x128xf32, #tpu.memory_space<hbm>>
    tpu.enqueue_dma source(%arg14 : memref<80x128xf32, #tpu.memory_space<vmem>>) target(%dma_start3A_190 : memref<80x128xf32, #tpu.memory_space<hbm>>) target_semaphore(%arg34 : memref<!tpu.dma_semaphore, #tpu.memory_space<semaphore_mem>>)
    %add3A_191 = arith.constant 6080 : i32
    %add3A_192 = arith.addi %mul3A_2, %add3A_191 : i32
    %dma_wait3A_193 = arith.constant 0 : i32
    %dma_wait3A_194 = tpu.memref_slice %arg4[%add3A_192, %dma_wait3A_193] : memref<204800x128xf32, #tpu.memory_space<hbm>> -> memref<80x128xf32, #tpu.memory_space<hbm>>
    %dma_wait3A_195 = arith.constant 0 : i32
    %dma_wait3A_196 = tpu.memref_slice %arg4[%add3A_192, %dma_wait3A_195] : memref<204800x128xf32, #tpu.memory_space<hbm>> -> memref<80x128xf32, #tpu.memory_space<hbm>>
    tpu.wait_dma2 semaphore(%arg32 : memref<!tpu.dma_semaphore, #tpu.memory_space<semaphore_mem>>) src(%arg12 : memref<80x128xf32, #tpu.memory_space<vmem>>) dst(%dma_wait3A_196 : memref<80x128xf32, #tpu.memory_space<hbm>>)
    %dma_wait3A_197 = arith.constant 6320 : i32
    %dma_wait3A_198 = tpu.memref_slice %arg5[%dma_wait3A_197] : memref<6400xi32, #tpu.memory_space<vmem>> -> memref<80xi32, #tpu.memory_space<vmem>>
    %dma_wait3A_199 = arith.constant 0 : i32
    %dma_wait3A_200 = arith.constant 0 : i32
    %dma_wait3A_201 = tpu.memref_slice %arg2[%dma_wait3A_199, %dma_wait3A_200] : memref<100000x128xf32, #tpu.memory_space<hbm>> -> memref<100000x128xf32, #tpu.memory_space<hbm>>
    tpu.wait_indirect_dma semaphore(%arg25 : memref<!tpu.dma_semaphore, #tpu.memory_space<semaphore_mem>>) src(%dma_wait3A_201 : memref<100000x128xf32, #tpu.memory_space<hbm>>) dst(%arg15 : memref<80x128xf32, #tpu.memory_space<vmem>>)
    %add3A_202 = arith.constant 6320 : i32
    %add3A_203 = arith.addi %mul3A_2, %add3A_202 : i32
    %dma_start3A_204 = arith.constant 0 : i32
    %dma_start3A_205 = tpu.memref_slice %arg4[%add3A_203, %dma_start3A_204] : memref<204800x128xf32, #tpu.memory_space<hbm>> -> memref<80x128xf32, #tpu.memory_space<hbm>>
    %dma_start3A_206 = arith.constant 0 : i32
    %dma_start3A_207 = tpu.memref_slice %arg4[%add3A_203, %dma_start3A_206] : memref<204800x128xf32, #tpu.memory_space<hbm>> -> memref<80x128xf32, #tpu.memory_space<hbm>>
    tpu.enqueue_dma source(%arg15 : memref<80x128xf32, #tpu.memory_space<vmem>>) target(%dma_start3A_207 : memref<80x128xf32, #tpu.memory_space<hbm>>) target_semaphore(%arg35 : memref<!tpu.dma_semaphore, #tpu.memory_space<semaphore_mem>>)
    %add3A_208 = arith.constant 6160 : i32
    %add3A_209 = arith.addi %mul3A_2, %add3A_208 : i32
    %dma_wait3A_210 = arith.constant 0 : i32
    %dma_wait3A_211 = tpu.memref_slice %arg4[%add3A_209, %dma_wait3A_210] : memref<204800x128xf32, #tpu.memory_space<hbm>> -> memref<80x128xf32, #tpu.memory_space<hbm>>
    %dma_wait3A_212 = arith.constant 0 : i32
    %dma_wait3A_213 = tpu.memref_slice %arg4[%add3A_209, %dma_wait3A_212] : memref<204800x128xf32, #tpu.memory_space<hbm>> -> memref<80x128xf32, #tpu.memory_space<hbm>>
    tpu.wait_dma2 semaphore(%arg33 : memref<!tpu.dma_semaphore, #tpu.memory_space<semaphore_mem>>) src(%arg13 : memref<80x128xf32, #tpu.memory_space<vmem>>) dst(%dma_wait3A_213 : memref<80x128xf32, #tpu.memory_space<hbm>>)
    %add3A_214 = arith.constant 6240 : i32
    %add3A_215 = arith.addi %mul3A_2, %add3A_214 : i32
    %dma_wait3A_216 = arith.constant 0 : i32
    %dma_wait3A_217 = tpu.memref_slice %arg4[%add3A_215, %dma_wait3A_216] : memref<204800x128xf32, #tpu.memory_space<hbm>> -> memref<80x128xf32, #tpu.memory_space<hbm>>
    %dma_wait3A_218 = arith.constant 0 : i32
    %dma_wait3A_219 = tpu.memref_slice %arg4[%add3A_215, %dma_wait3A_218] : memref<204800x128xf32, #tpu.memory_space<hbm>> -> memref<80x128xf32, #tpu.memory_space<hbm>>
    tpu.wait_dma2 semaphore(%arg34 : memref<!tpu.dma_semaphore, #tpu.memory_space<semaphore_mem>>) src(%arg14 : memref<80x128xf32, #tpu.memory_space<vmem>>) dst(%dma_wait3A_219 : memref<80x128xf32, #tpu.memory_space<hbm>>)
    %add3A_220 = arith.constant 6320 : i32
    %add3A_221 = arith.addi %mul3A_2, %add3A_220 : i32
    %dma_wait3A_222 = arith.constant 0 : i32
    %dma_wait3A_223 = tpu.memref_slice %arg4[%add3A_221, %dma_wait3A_222] : memref<204800x128xf32, #tpu.memory_space<hbm>> -> memref<80x128xf32, #tpu.memory_space<hbm>>
    %dma_wait3A_224 = arith.constant 0 : i32
    %dma_wait3A_225 = tpu.memref_slice %arg4[%add3A_221, %dma_wait3A_224] : memref<204800x128xf32, #tpu.memory_space<hbm>> -> memref<80x128xf32, #tpu.memory_space<hbm>>
    tpu.wait_dma2 semaphore(%arg35 : memref<!tpu.dma_semaphore, #tpu.memory_space<semaphore_mem>>) src(%arg15 : memref<80x128xf32, #tpu.memory_space<vmem>>) dst(%dma_wait3A_225 : memref<80x128xf32, #tpu.memory_space<hbm>>)
    return
  }
}

</mosaic_0001>

<sc_bundles>
// kernel: kernel.3.cloned.1.call-start
scs
__scs_entry_jumppad:
0x0: {  	(pc) =	sbr.rel $0x88, $3  }
0x1: {  	(tag) =	ssettag $0x0;
	lr =	simm.s32 $0x1  }
0x2: {  	[smem:$0x3F9F] =	sst lr;
	_ =	strace $0xD0000000  }
0x3: {  	_ = 	snop  }
0x4: {  	_ = 	snop  }
0x5: {  	_ = 	snop  }
0x6: {  	_ = 	snop  }
0x7: {  	_ = 	snop  }
__scs_overlays_trampoline_lowered:
0x8: {  	[smem:$0x3FAE] =	sst s0  }
0x9: {  	[smem:$0x3FAF] =	sst s1  }
0xa: {  	[smem:$0x3FB0] =	sst s2  }
0xb: {  	[smem:$0x3FB1] =	sst s3  }
0xc: {  	[smem:$0x3FB2] =	sst s4  }
0xd: {  	[smem:$0x3FB3] =	sst s5  }
0xe: {  	[smem:$0x3FB4] =	sst s6  }
0xf: {  	[smem:$0x3FB5] =	sst s7  }
0x10: {  	[smem:$0x3FB6] =	sst s8  }
0x11: {  	[smem:$0x3FB7] =	sst s9;
	s0 =	simm.s32 @!p0 $0x0  }
0x12: {  	s1 =	sld [smem:$0x3F9D];
	s0 =	simm.s32 @p0 $0x1  }
0x13: {  	[smem:$0x3FB8] =	sst s0;
	s0 =	simm.s32 @!p1 $0x0  }
0x14: {  	s2 =	sld [smem:$0x3F9C];
	s0 =	simm.s32 @p1 $0x1  }
0x15: {  	[smem:$0x3FB9] =	sst s0;
	s0 =	simm.s32 @!p2 $0x0  }
0x16: {  	s3 =	sld [smem:$0x3FDB];
	s0 =	simm.s32 @p2 $0x1  }
0x17: {  	s4 =	simm.s32 $0x1BF5;
	[smem:$0x3FBB] =	sst s0  }
0x18: {  	s0 =	sld [smem:$0x3F9E];
	_ =	swait.ge [sflag:s4], $0x0  }
0x19: {  	s7 =	sld [smem:$0x3F9F]  }
0x1a: {  	s8 =	sadd.s32 $0xFFFFE003, lr  }
0x1b: {  	s9 =	sadd.s32 $0xFFFFFEF7, lr;
	s5 =	simm.s32 $0xFFFFFFFF;
	p2 =	slt.u32 s8, $0xFFFFF086  }
0x1c: {  	p1 =	slt.u32 s9, $0xF7A;
	s5 =	simm.s32 @!p2 $0x0  }
0x1d: {  	s5 =	simm.s32 @p1 $0x1;
	p0 =	seq.s32 s7, s2  }
0x1e: {  	s7 =	smul.u32 @!p0 $0xF7A, s2;
	p2 =	seq.s32 @!p0 s5, $0x0  }
0x1f: {  	s9 =	smul.u32 $0xF7A, s1;
	s8 =	simm.s32 @!p0 $0x1BF5;
	p2 =	por !p2, p0  }
0x20: {  	[sflag:s8] =	ssyncset.s32 @!p0 $0xFFFFF086;
	s6 =	sadd.s32 @!p0 s3, s7;
	s7 =	simm.s32 @!p0 $0x108  }
0x21: {  	s3 =	sadd.s32 s3, s9;
	s6 =	sadd.s32 @!p0 $0x88, s6;
	s7 =	simm.s32 @p2 $0x1082  }
0x22: {  	[simem:s7], [sflag:s8] =	dma.local @!p0 [hbm:s6], $0xF7A  }
0x23: {  	s9 =	sor.u32 $0xD0000000, s2;
	s6 =	simm.s32 $0x108;
	_ =	swait.ge @!p0 [sflag:s8], $0x0  }
0x24: {  	s3 =	sadd.s32 $0x88, s3;
	s6 =	simm.s32 @!p1 $0x1082;
	[sflag:s4] =	ssyncset.s32 $0xFFFFF086  }
0x25: {  	[simem:s6], [sflag:s4] =	dma.local [hbm:s3], $0xF7A  }
0x26: {  	[smem:$0x3F9F] =	sst s1;
	(tag) =	ssettag s2;
	_ =	strace s9  }
0x27: {  	s1 =	sld [smem:$0x3FAF]  }
0x28: {  	s2 =	sld [smem:$0x3FB0]  }
0x29: {  	s4 =	sld [smem:$0x3FB2]  }
0x2a: {  	p0 =	seq.s32 s5, $0x0;
	s5 =	sld [smem:$0x3FB3]  }
0x2b: {  	s6 =	sld [smem:$0x3FB4]  }
0x2c: {  	s7 =	sld [smem:$0x3FB5]  }
0x2d: {  	s3 =	simm.s32 $0x108;
	s8 =	sld [smem:$0x3FB6]  }
0x2e: {  	s3 =	simm.s32 @!p0 $0x1082;
	s9 =	sld [smem:$0x3FB7]  }
0x2f: {  	lr =	sadd.s32 s0, s3;
	s0 =	sld [smem:$0x3FAE]  }
0x30: {  	s3 =	sld [smem:$0x3FB1]  }
0x31: {  	[smem:$0x3FBA] =	sst s10  }
0x32: {  	s10 =	sld [smem:$0x3FB8];
	_ =	sdelay $0x3  }
0x33: {  	p0 =	seq.s32 s10, $0x1;
	s10 =	sld [smem:$0x3FBA];
	_ =	sdelay $0x3  }
0x34: {  	[smem:$0x3FBA] =	sst s10  }
0x35: {  	s10 =	sld [smem:$0x3FB9];
	_ =	sdelay $0x3  }
0x36: {  	p1 =	seq.s32 s10, $0x1;
	s10 =	sld [smem:$0x3FBA];
	_ =	sdelay $0x3  }
0x37: {  	[smem:$0x3FBA] =	sst s10  }
0x38: {  	s10 =	sld [smem:$0x3FBB]  }
0x39: {  	_ = 	snop;
	(pc) =	sbr.ind lr, $3  }
0x3a: {  	_ = 	snop  }
0x3b: {  	_ = 	snop  }
0x3c: {  	p2 =	seq.s32 s10, $0x1;
	s10 =	sld [smem:$0x3FBA]  }
0x3d: {  	_ =	shalt  }
0x3e: {  	_ =	shalt  }
0x3f: {  	_ =	shalt  }
0x40: {  	_ =	shalt  }
0x41: {  	_ =	shalt  }
0x42: {  	_ =	shalt  }
0x43: {  	_ =	shalt  }
0x44: {  	_ =	shalt  }
0x45: {  	_ =	shalt  }
0x46: {  	_ =	shalt  }
0x47: {  	_ =	shalt  }
0x48: {  	_ =	shalt  }
0x49: {  	_ =	shalt  }
0x4a: {  	_ =	shalt  }
0x4b: {  	_ =	shalt  }
0x4c: {  	_ =	shalt  }
0x4d: {  	_ =	shalt  }
0x4e: {  	_ =	shalt  }
0x4f: {  	_ =	shalt  }
0x50: {  	_ =	shalt  }
0x51: {  	_ =	shalt  }
0x52: {  	_ =	shalt  }
0x53: {  	_ =	shalt  }
0x54: {  	_ =	shalt  }
0x55: {  	_ =	shalt  }
0x56: {  	_ =	shalt  }
0x57: {  	_ =	shalt  }
0x58: {  	_ =	shalt  }
0x59: {  	_ =	shalt  }
0x5a: {  	_ =	shalt  }
0x5b: {  	_ =	shalt  }
0x5c: {  	_ =	shalt  }
0x5d: {  	_ =	shalt  }
0x5e: {  	_ =	shalt  }
0x5f: {  	_ =	shalt  }
0x60: {  	_ =	shalt  }
0x61: {  	_ =	shalt  }
0x62: {  	_ =	shalt  }
0x63: {  	_ =	shalt  }
0x64: {  	_ =	shalt  }
0x65: {  	_ =	shalt  }
0x66: {  	_ =	shalt  }
0x67: {  	_ =	shalt  }
0x68: {  	_ =	shalt  }
0x69: {  	_ =	shalt  }
0x6a: {  	_ =	shalt  }
0x6b: {  	_ =	shalt  }
0x6c: {  	_ =	shalt  }
0x6d: {  	_ =	shalt  }
0x6e: {  	_ =	shalt  }
0x6f: {  	_ =	shalt  }
0x70: {  	_ =	shalt  }
0x71: {  	_ =	shalt  }
0x72: {  	_ =	shalt  }
0x73: {  	_ =	shalt  }
0x74: {  	_ =	shalt  }
0x75: {  	_ =	shalt  }
0x76: {  	_ =	shalt  }
0x77: {  	_ =	shalt  }
0x78: {  	_ =	shalt  }
0x79: {  	_ =	shalt  }
0x7a: {  	_ =	shalt  }
0x7b: {  	_ =	shalt  }
0x7c: {  	_ =	shalt  }
0x7d: {  	_ =	shalt  }
0x7e: {  	_ =	shalt  }
0x7f: {  	_ =	shalt  }
0x80: {  	_ =	shalt  }
0x81: {  	_ =	shalt  }
0x82: {  	_ =	shalt  }
0x83: {  	_ =	shalt  }
0x84: {  	_ =	shalt  }
0x85: {  	_ =	shalt  }
0x86: {  	_ =	shalt  }
0x87: {  	_ =	shalt  }
.Lfunc_end0:
.L_simem_size_0:
called_computation_lowered:
.L_overlay_start_0:
0x88: {  	s2 =	sld [smem:$0x3FD9]  }
0x89: {  	s3 =	sld [smem:$0x3FFE];
	_ =	sdelay $0x1  }
0x8a: {  	s1 =	srdreg.scid  }
0x8b: {  	s0 =	sand.u32 $0x1, s1  }
0x8c: {  	s17 =	sshll.u32 s0, $0xA;
	s2 =	sadd.s32 s3, s2  }
0x8d: {  	s2 =	sadd.s32 s2, s17  }
0x8e: {  	[smem:$0x3FC6] =	sst s2  }
0x8f: {  	_ = 	snop  }
0x90: {  	s2 =	sld [smem:$0x3FC8]  }
0x91: {  	s18 =	sld [smem:$0x3FD0];
	(tm) =	ssettm $0x1  }
0x92: {  	s4 =	sld [smem:$0x3FFB];
	_ =	sdelay $0x3  }
0x93: {  	_ =	strace s4  }
0x94: {  	s4 =	sld [smem:$0x3FFC];
	_ =	sdelay $0x3  }
0x95: {  	_ =	strace s4  }
0x96: {  	s4 =	sld [smem:$0x3FFD];
	_ =	sdelay $0x3  }
0x97: {  	_ =	strace s4  }
0x98: {  	_ =	strace $0x8FFFFFFF  }
0x99: {  	s19 =	sld [smem:$0x3FDB];
	_ =	sdelay $0x1  }
0x9a: {  	s5 =	simm.s32 $_scs_section_size  }
0x9b: {  	s6 =	simm.s32 $_size__tile_overlayer_lowered;
	s7 =	simm.s32 $_tile_overlayer_lowered  }
0x9c: {  	s22 =	simm.s32 $0x1BFF;
	s21 =	sshll.u32 s7, $0x1;
	s4 =	sadd.s32 s5, s19  }
0x9d: {  	s8 =	simm.s32 $0x0;
	s20 =	sshll.u32 s6, $0x1;
	s6 =	sadd.s32 s21, s4  }
0x9e: {  	[timem:s8], [sflag:s22] =	dma.local [hbm:s6], s20  }
0x9f: {  	_ =	swait.ge [sflag:s22], s20  }
0xa0: {  	s5 =	ssub.s32 $0x0, s20;
	[sflag:s22] =	ssyncset.done $0x0  }
0xa1: {  	[sflag:s22] =	ssyncadd.s32 s5;
	_ =	sdelay $0x1  }
0xa2: {  	s23 =	simm.s32 $0x1B8B  }
0xa3: {  	_ =	swait.ge [sflag:s23], $0x1  }
0xa4: {  	[sflag:s23] =	ssyncset.done $0x0  }
0xa5: {  	s25 =	simm.s32 $0x1B8E;
	s24 =	sld [smem:$0x3FFE];
	[sflag:s23] =	ssyncadd.s32 $0xFFFFFFFF  }
0xa6: {  	s26 =	simm.s32 $execute0_lowered;
	[smem:$0x3FD2] =	sst s25  }
0xa7: {  	s6 =	sshll.u32 s26, $0x1;
	_ =	strace $0x80000046;
	[dreg:$0x1] =	wrdreg $0xFFFFFFFF  }
0xa8: {  	s28 =	simm.s32 $_size_execute0_lowered;
	s4 =	sadd.s32 s4, s6;
	[dreg:$0x0] =	wrdreg $0x0  }
0xa9: {  	s6 =	sshll.u32 s28, $0x1;
	[dreg:$0x2] =	wrdreg s4  }
0xaa: {  	[dreg:$0x3] =	wrdreg s6  }
0xab: {  	[dreg:$0x4] =	wrdreg $0xC0  }
0xac: {  	_ =	task [dreg:s8], $0x5FFFF  }
0xad: {  	[dreg:$0x1] =	wrdreg $0xFFFFFFFF  }
0xae: {  	[dreg:$0x0] =	wrdreg $0x60  }
0xaf: {  	[dreg:$0x2] =	wrdreg s2  }
0xb0: {  	[dreg:$0x3] =	wrdreg s24  }
0xb1: {  	[dreg:$0x4] =	wrdreg s18  }
0xb2: {  	[dreg:$0x5] =	wrdreg $0x9  }
0xb3: {  	_ =	task.clear_ibuf [dreg:s8], $0x6FFFF;
	_ =	strace $0x90000046  }
0xb4: {  	s29 =	simm.s32 $0x9;
	_ =	strace $0x80000048  }
0xb5: {  	_ =	swait.ge [sflag:s29], $0x1  }
0xb6: {  	[sflag:s29] =	ssyncadd.s32 $0xFFFFFFFF  }
0xb7: {  	_ =	strace $0x90000048  }
0xb8: {  	_ =	sfence  }
0xb9: {  	s30 =	sld [smem:$0x0];
	_ =	sdelay $0x2  }
0xba: {  	s31 =	sshll.u32 s1, $0xD;
	s1 =	sshrl.u32 s1, $0x2  }
0xbb: {  	s3 =	sand.u32 $0x4000, s31;
	s1 =	sadd.s32 s1, s30  }
0xbc: {  	s0 =	sor.u32 s3, s0;
	s1 =	sshll.u32 s1, $0x11  }
0xbd: {  	s0 =	sor.u32 s1, s0  }
0xbe: {  	s0 =	sadd.s32 $0x8F2B, s0  }
0xbf: {  	[sflag:s0] =	ssyncadd.remote.s32 $0x1  }
0xc0: {  	_ =	sfence.sel $0xFFFF  }
0xc1: {  	[dreg:$0x0] =	wrdreg $0xFFFFFFFF;
	(pc) =	sbr.abs _section_cstart, $3  }
0xc2: {  	[dreg:$0x1] =	wrdreg $0xFFFFFFFF  }
0xc3: {  	_ =	task.clear_ibuf [dreg:s8], $0x2FFFF;
	_ =	strace $0x9FFFFFFF  }
0xc4: {  	(tm) =	ssettm $0x7FFFFFFF  }
0xc5: {  	_ =	shalt  }
tec
execute0_lowered:
.L_overlay_start_1:
0x0: {  	(tag) =	ssettag $0x1  }
0x1: {  	s1 =	rddreg [dreg:$0x0]  }
0x2: {  	s0 =	rddreg [dreg:$0x1]  }
0x3: {  	s2 =	srdreg.scid;
	s9 =	stileid.u32  }
0x4: {  	s4 =	rddreg [dreg:$0x2];
	s3 =	simm.s32 $0x0;
	s10 =	simm.s32 $0xE  }
0x5: {  	s11 =	simm.s32 $0x7;
	s2 =	sand.u32 $0x1, s2;
	s5 =	sshll.u32 s9, $0x1  }
0x6: {  	s12 =	simm.s32 $0xF;
	s25 =	smul.u32 $0x32000, s9;
	s5 =	sor.u32 s2, s5  }
0x7: {  	s13 =	simm.s32 $0x8;
	s14 =	simm.s32 $0x9;
	s6 =	smul.u32 $0x1900, s5  }
0x8: {  	s15 =	simm.s32 $0x11;
	s17 =	simm.s32 $0xA;
	s7 =	smul.u32 $0xC8000, s5  }
0x9: {  	s16 =	simm.s32 $0x12;
	[smem:$0x7FF] =	sst s3;
	s5 =	smul.u32 $0x19000, s5  }
0xa: {  	s9 =	simm.s32 $0x6;
	_ =	strace $0x80000047;
	s8 =	ssub.s32 $0x2, s2  }
0xb: {  	s6 =	sshrl.u32 s6, $0x3;
	s7 =	sshrl.u32 s7, $0x3;
	s19 =	sadd.s32 s4, s5  }
0xc: {  	s0 =	sadd.s32 s6, s0;
	[dreg:$0x4] =	wrdreg s19;
	s21 =	sadd.s32 $0x500, s19  }
0xd: {  	s20 =	sadd.s32 s4, s7;
	s0 =	sadd.s32 $0x400, s0;
	[dreg:$0x6] =	wrdreg s21  }
0xe: {  	s2 =	smul.u32 $0x19000, s2;
	s22 =	sadd.s32 $0x16800, s20;
	[dreg:$0x5] =	wrdreg s0  }
0xf: {  	s18 =	sshrl.u32 s8, $0x1;
	s23 =	sadd.s32 $0x16D00, s20;
	[dreg:$0x7] =	wrdreg s22  }
0x10: {  	s5 =	simm.s32 $0x1;
	s24 =	sadd.s32 $0x17200, s20;
	[dreg:$0x8] =	wrdreg s23  }
0x11: {  	s6 =	ssub.s32 s8, s18;
	s7 =	sadd.s32 $0x17700, s20;
	[dreg:$0x9] =	wrdreg s24  }
0x12: {  	s18 =	simm.s32 $0x50;
	s26 =	sadd.s32 $0x17C00, s20;
	[dreg:$0xa] =	wrdreg s7  }
0x13: {  	s8 =	simm.s32 $0xD;
	s28 =	sadd.s32 $0x18100, s20;
	[dreg:$0xb] =	wrdreg s26  }
0x14: {  	s19 =	simm.s32 $0x13;
	s29 =	sadd.s32 $0x18600, s20;
	[dreg:$0xc] =	wrdreg s28  }
0x15: {  	s30 =	sadd.s32 $0x18B00, s20;
	s31 =	smax.u32 s6, $0x1;
	[dreg:$0xd] =	wrdreg s29  }
0x16: {  	s20 =	simm.s32 $0x14;
	s0 =	sadd.s32 s25, s4;
	[dreg:$0xe] =	wrdreg s30  }
0x17: {  	[dreg:$0xf] =	wrdreg s31;
	s26 =	simm.s32 $0x1900;
	s0 =	sadd.s32 s2, s0  }
0x18: {  	s7 =	simm.s32 $0x2;
	s4 =	simm.s32 $0x10;
	s0 =	sadd.s32 $0x1E00, s0  }
0x19: {  	s2 =	simm.s32 $0x0;
	[dreg:$0x10] =	wrdreg s0;
	s0 =	simm.s32 $0x4100  }
.LBB2_1:
0x1a: {  	[dreg:$0x11] =	wrdreg s2  }
0x1b: {  	s22 =	rddreg [dreg:$0x5];
	s23 =	simm.s32 $0x15  }
0x1c: {  	[tilespmem:s3], [sflag:$0x15] =	stream.linear.gather [hbm4b:s22+s3], $0x1900, $0x38;
	[tilespmem:$0x1A900] =	vst v63  }
0x1d: {  	_ =	swait.ge [sflag:s23], $0x1900  }
0x1e: {  	[sflag:s23] =	ssyncset.done $0x0  }
0x1f: {  	[sflag:s23] =	ssyncadd.s32 $0xFFFFE700  }
0x20: {  	[tilespmem:s26], [sflag:$0x1] =	stream.indirect.gather [hbm4b:s1+s18], $0x80, s3, s18, $0xb8;
	[tilespmem:$0x1A900] =	vst v63  }
0x21: {  	_ = 	snop  }
0x22: {  	[tilespmem:s0], [sflag:$0x2] =	stream.indirect.gather [hbm4b:s1+s18], $0x80, s18, s18, $0xb8;
	[tilespmem:$0x1A900] =	vst v63  }
0x23: {  	s24 =	simm.s32 $0xA0;
	s25 =	simm.s32 $0x6900  }
0x24: {  	[tilespmem:s25], [sflag:$0x3] =	stream.indirect.gather [hbm4b:s1+s18], $0x80, s24, s18, $0xb8;
	[tilespmem:$0x1A900] =	vst v63  }
0x25: {  	s28 =	simm.s32 $0xF0;
	s29 =	simm.s32 $0x9100  }
0x26: {  	[tilespmem:s29], [sflag:$0x4] =	stream.indirect.gather [hbm4b:s1+s18], $0x80, s28, s18, $0xb8;
	[tilespmem:$0x1A900] =	vst v63  }
0x27: {  	s30 =	simm.s32 $0x140;
	s21 =	simm.s32 $0xB900  }
0x28: {  	[tilespmem:s21], [sflag:$0x5] =	stream.indirect.gather [hbm4b:s1+s18], $0x80, s30, s18, $0xb8;
	[tilespmem:$0x1A900] =	vst v63  }
0x29: {  	s6 =	simm.s32 $0x190;
	s28 =	simm.s32 $0xE100  }
0x2a: {  	[tilespmem:s28], [sflag:$0x6] =	stream.indirect.gather [hbm4b:s1+s18], $0x80, s6, s18, $0xb8;
	[tilespmem:$0x1A900] =	vst v63  }
0x2b: {  	s22 =	simm.s32 $0x1E0;
	s23 =	simm.s32 $0x10900  }
0x2c: {  	[tilespmem:s23], [sflag:$0x7] =	stream.indirect.gather [hbm4b:s1+s18], $0x80, s22, s18, $0xb8;
	[tilespmem:$0x1A900] =	vst v63  }
0x2d: {  	s24 =	simm.s32 $0x230;
	s30 =	simm.s32 $0x13100  }
0x2e: {  	[tilespmem:s30], [sflag:$0x8] =	stream.indirect.gather [hbm4b:s1+s18], $0x80, s24, s18, $0xb8;
	[tilespmem:$0x1A900] =	vst v63  }
0x2f: {  	_ =	swait.ge [sflag:s5], $0x2800  }
0x30: {  	[sflag:s5] =	ssyncset.done $0x0  }
0x31: {  	s6 =	rddreg [dreg:$0x4];
	[sflag:s5] =	ssyncadd.s32 $0xFFFFD800  }
0x32: {  	[hbm4b:s6+s3] =	stream.linear.scatter [tilespmem:s26], [sflag:$0xB], $0x2800, $0x38;
	[tilespmem:$0x1A900] =	vst v63  }
0x33: {  	s31 =	simm.s32 $0x15900;
	s24 =	simm.s32 $0x280  }
0x34: {  	[tilespmem:s31], [sflag:$0x9] =	stream.indirect.gather [hbm4b:s1+s18], $0x80, s24, s18, $0xb8;
	[tilespmem:$0x1A900] =	vst v63  }
0x35: {  	_ =	swait.ge [sflag:s7], $0x2800  }
0x36: {  	[sflag:s7] =	ssyncset.done $0x0  }
0x37: {  	s6 =	rddreg [dreg:$0x6];
	[sflag:s7] =	ssyncadd.s32 $0xFFFFD800  }
0x38: {  	[hbm4b:s6+s3] =	stream.linear.scatter [tilespmem:s0], [sflag:$0xC], $0x2800, $0x38;
	[tilespmem:$0x1A900] =	vst v63  }
0x39: {  	s22 =	simm.s32 $0x2D0;
	s24 =	simm.s32 $0x3;
	s6 =	simm.s32 $0x18100  }
0x3a: {  	[tilespmem:s6], [sflag:$0xA] =	stream.indirect.gather [hbm4b:s1+s18], $0x80, s22, s18, $0xb8;
	[tilespmem:$0x1A900] =	vst v63  }
0x3b: {  	_ =	swait.ge [sflag:s24], $0x2800  }
0x3c: {  	[sflag:s24] =	ssyncset.done $0x0  }
0x3d: {  	[sflag:s24] =	ssyncadd.s32 $0xFFFFD800;
	s24 =	rddreg [dreg:$0x10]  }
0x3e: {  	s22 =	simm.s32 $0xB;
	s2 =	sadd.s32 $0xFFFFEC00, s24  }
0x3f: {  	[hbm4b:s2+s3] =	stream.linear.scatter [tilespmem:s25], [sflag:$0xD], $0x2800, $0x38;
	[tilespmem:$0x1A900] =	vst v63  }
0x40: {  	_ =	swait.ge [sflag:s22], $0x2800  }
0x41: {  	[sflag:s22] =	ssyncset.done $0x0  }
0x42: {  	s2 =	simm.s32 $0x320;
	[sflag:s22] =	ssyncadd.s32 $0xFFFFD800;
	s22 =	simm.s32 $0x4  }
0x43: {  	[tilespmem:s26], [sflag:$0x1] =	stream.indirect.gather [hbm4b:s1+s18], $0x80, s2, s18, $0xb8;
	[tilespmem:$0x1A900] =	vst v63  }
0x44: {  	_ =	swait.ge [sflag:s22], $0x2800  }
0x45: {  	[sflag:s22] =	ssyncset.done $0x0  }
0x46: {  	s2 =	sadd.s32 $0xFFFFF100, s24;
	[sflag:s22] =	ssyncadd.s32 $0xFFFFD800;
	s22 =	simm.s32 $0xC  }
0x47: {  	[hbm4b:s2+s3] =	stream.linear.scatter [tilespmem:s29], [sflag:$0xE], $0x2800, $0x38;
	[tilespmem:$0x1A900] =	vst v63  }
0x48: {  	_ =	swait.ge [sflag:s22], $0x2800  }
0x49: {  	[sflag:s22] =	ssyncset.done $0x0  }
0x4a: {  	s2 =	simm.s32 $0x370;
	[sflag:s22] =	ssyncadd.s32 $0xFFFFD800;
	s22 =	simm.s32 $0x5  }
0x4b: {  	[tilespmem:s0], [sflag:$0x2] =	stream.indirect.gather [hbm4b:s1+s18], $0x80, s2, s18, $0xb8;
	[tilespmem:$0x1A900] =	vst v63  }
0x4c: {  	_ =	swait.ge [sflag:s22], $0x2800  }
0x4d: {  	[sflag:s22] =	ssyncset.done $0x0  }
0x4e: {  	s2 =	sadd.s32 $0xFFFFF600, s24;
	[sflag:s22] =	ssyncadd.s32 $0xFFFFD800  }
0x4f: {  	[hbm4b:s2+s3] =	stream.linear.scatter [tilespmem:s21], [sflag:$0xF], $0x2800, $0x38;
	[tilespmem:$0x1A900] =	vst v63  }
0x50: {  	_ =	swait.ge [sflag:s8], $0x2800  }
0x51: {  	[sflag:s8] =	ssyncset.done $0x0  }
0x52: {  	s2 =	simm.s32 $0x3C0;
	[sflag:s8] =	ssyncadd.s32 $0xFFFFD800  }
0x53: {  	[tilespmem:s25], [sflag:$0x3] =	stream.indirect.gather [hbm4b:s1+s18], $0x80, s2, s18, $0xb8;
	[tilespmem:$0x1A900] =	vst v63  }
0x54: {  	_ =	swait.ge [sflag:s9], $0x2800  }
0x55: {  	[sflag:s9] =	ssyncset.done $0x0  }
0x56: {  	s2 =	sadd.s32 $0xFFFFFB00, s24;
	[sflag:s9] =	ssyncadd.s32 $0xFFFFD800  }
0x57: {  	[hbm4b:s2+s3] =	stream.linear.scatter [tilespmem:s28], [sflag:$0x10], $0x2800, $0x38;
	[tilespmem:$0x1A900] =	vst v63  }
0x58: {  	_ =	swait.ge [sflag:s10], $0x2800  }
0x59: {  	[sflag:s10] =	ssyncset.done $0x0  }
0x5a: {  	s25 =	simm.s32 $0x410;
	[sflag:s10] =	ssyncadd.s32 $0xFFFFD800  }
0x5b: {  	[tilespmem:s29], [sflag:$0x4] =	stream.indirect.gather [hbm4b:s1+s18], $0x80, s25, s18, $0xb8;
	[tilespmem:$0x1A900] =	vst v63  }
0x5c: {  	_ =	swait.ge [sflag:s11], $0x2800  }
0x5d: {  	[sflag:s11] =	ssyncset.done $0x0  }
0x5e: {  	[sflag:s11] =	ssyncadd.s32 $0xFFFFD800  }
0x5f: {  	[hbm4b:s24+s3] =	stream.linear.scatter [tilespmem:s23], [sflag:$0x11], $0x2800, $0x38;
	[tilespmem:$0x1A900] =	vst v63  }
0x60: {  	_ =	swait.ge [sflag:s12], $0x2800  }
0x61: {  	[sflag:s12] =	ssyncset.done $0x0  }
0x62: {  	s2 =	simm.s32 $0x460;
	[sflag:s12] =	ssyncadd.s32 $0xFFFFD800  }
0x63: {  	[tilespmem:s21], [sflag:$0x5] =	stream.indirect.gather [hbm4b:s1+s18], $0x80, s2, s18, $0xb8;
	[tilespmem:$0x1A900] =	vst v63  }
0x64: {  	_ =	swait.ge [sflag:s13], $0x2800  }
0x65: {  	[sflag:s13] =	ssyncset.done $0x0  }
0x66: {  	s25 =	sadd.s32 $0x500, s24;
	[sflag:s13] =	ssyncadd.s32 $0xFFFFD800  }
0x67: {  	[hbm4b:s25+s3] =	stream.linear.scatter [tilespmem:s30], [sflag:$0x12], $0x2800, $0x38;
	[tilespmem:$0x1A900] =	vst v63  }
0x68: {  	_ =	swait.ge [sflag:s4], $0x2800  }
0x69: {  	[sflag:s4] =	ssyncset.done $0x0  }
0x6a: {  	s29 =	simm.s32 $0x4B0;
	[sflag:s4] =	ssyncadd.s32 $0xFFFFD800  }
0x6b: {  	[tilespmem:s28], [sflag:$0x6] =	stream.indirect.gather [hbm4b:s1+s18], $0x80, s29, s18, $0xb8;
	[tilespmem:$0x1A900] =	vst v63  }
0x6c: {  	_ =	swait.ge [sflag:s14], $0x2800  }
0x6d: {  	[sflag:s14] =	ssyncset.done $0x0  }
0x6e: {  	s2 =	sadd.s32 $0xA00, s24;
	[sflag:s14] =	ssyncadd.s32 $0xFFFFD800  }
0x6f: {  	[hbm4b:s2+s3] =	stream.linear.scatter [tilespmem:s31], [sflag:$0x13], $0x2800, $0x38;
	[tilespmem:$0x1A900] =	vst v63  }
0x70: {  	_ =	swait.ge [sflag:s15], $0x2800  }
0x71: {  	[sflag:s15] =	ssyncset.done $0x0  }
0x72: {  	s21 =	simm.s32 $0x500;
	[sflag:s15] =	ssyncadd.s32 $0xFFFFD800  }
0x73: {  	[tilespmem:s23], [sflag:$0x7] =	stream.indirect.gather [hbm4b:s1+s18], $0x80, s21, s18, $0xb8;
	[tilespmem:$0x1A900] =	vst v63  }
0x74: {  	_ =	swait.ge [sflag:s17], $0x2800  }
0x75: {  	[sflag:s17] =	ssyncset.done $0x0  }
0x76: {  	s23 =	sadd.s32 $0xF00, s24;
	[sflag:s17] =	ssyncadd.s32 $0xFFFFD800  }
0x77: {  	[hbm4b:s23+s3] =	stream.linear.scatter [tilespmem:s6], [sflag:$0x14], $0x2800, $0x38;
	[tilespmem:$0x1A900] =	vst v63  }
0x78: {  	_ =	swait.ge [sflag:s16], $0x2800  }
0x79: {  	[sflag:s16] =	ssyncset.done $0x0  }
0x7a: {  	s25 =	simm.s32 $0x550;
	[sflag:s16] =	ssyncadd.s32 $0xFFFFD800  }
0x7b: {  	[tilespmem:s30], [sflag:$0x8] =	stream.indirect.gather [hbm4b:s1+s18], $0x80, s25, s18, $0xb8;
	[tilespmem:$0x1A900] =	vst v63  }
0x7c: {  	_ =	swait.ge [sflag:s5], $0x2800  }
0x7d: {  	[sflag:s5] =	ssyncset.done $0x0  }
0x7e: {  	s28 =	sadd.s32 $0x1400, s24;
	[sflag:s5] =	ssyncadd.s32 $0xFFFFD800  }
0x7f: {  	[hbm4b:s28+s3] =	stream.linear.scatter [tilespmem:s26], [sflag:$0xB], $0x2800, $0x38;
	[tilespmem:$0x1A900] =	vst v63  }
0x80: {  	_ =	swait.ge [sflag:s19], $0x2800  }
0x81: {  	[sflag:s19] =	ssyncset.done $0x0  }
0x82: {  	s29 =	simm.s32 $0x5A0;
	[sflag:s19] =	ssyncadd.s32 $0xFFFFD800  }
0x83: {  	[tilespmem:s31], [sflag:$0x9] =	stream.indirect.gather [hbm4b:s1+s18], $0x80, s29, s18, $0xb8;
	[tilespmem:$0x1A900] =	vst v63  }
0x84: {  	_ =	swait.ge [sflag:s7], $0x2800  }
0x85: {  	[sflag:s7] =	ssyncset.done $0x0  }
0x86: {  	s30 =	sadd.s32 $0x1900, s24;
	[sflag:s7] =	ssyncadd.s32 $0xFFFFD800  }
0x87: {  	[hbm4b:s30+s3] =	stream.linear.scatter [tilespmem:s0], [sflag:$0xC], $0x2800, $0x38;
	[tilespmem:$0x1A900] =	vst v63  }
0x88: {  	s22 =	simm.s32 $0xC80;
	_ =	swait.ge [sflag:s20], $0x2800  }
0x89: {  	s24 =	sadd.s32 $0x3200, s24;
	s26 =	simm.s32 $0x5F0;
	[sflag:s20] =	ssyncset.done $0x0  }
0x8a: {  	s31 =	simm.s32 $0x1900;
	s0 =	simm.s32 $0x4100;
	[sflag:s20] =	ssyncadd.s32 $0xFFFFD800  }
.LBB2_2:
0x8b: {  	s6 =	simm.s32 $0x18100  }
0x8c: {  	[tilespmem:s6], [sflag:$0xA] =	stream.indirect.gather [hbm4b:s1+s18], $0x80, s26, s18, $0xb8;
	[tilespmem:$0x1A900] =	vst v63  }
0x8d: {  	s2 =	simm.s32 $0x3;
	s26 =	smov.u32 s22  }
0x8e: {  	p0 =	sne.s32 s22, $0x4B00;
	s22 =	sadd.s32 $0xC80, s22;
	_ =	swait.ge [sflag:s2], $0x2800  }
0x8f: {  	s29 =	sadd.s32 $0xFFFFEC00, s24;
	[sflag:s2] =	ssyncset.done $0x0  }
0x90: {  	s5 =	simm.s32 $0xB;
	[sflag:s2] =	ssyncadd.s32 $0xFFFFD800;
	s2 =	simm.s32 $0x6900  }
0x91: {  	[hbm4b:s29+s3] =	stream.linear.scatter [tilespmem:s2], [sflag:$0xD], $0x2800, $0x38;
	[tilespmem:$0x1A900] =	vst v63  }
0x92: {  	_ =	swait.ge [sflag:s5], $0x2800  }
0x93: {  	s26 =	sshra.s32 s26, $0x2;
	[sflag:s5] =	ssyncset.done $0x0  }
0x94: {  	s29 =	sadd.s32 $0x320, s26;
	[sflag:s5] =	ssyncadd.s32 $0xFFFFD800;
	s5 =	simm.s32 $0x4  }
0x95: {  	[tilespmem:s31], [sflag:$0x1] =	stream.indirect.gather [hbm4b:s1+s18], $0x80, s29, s18, $0xb8;
	[tilespmem:$0x1A900] =	vst v63  }
0x96: {  	_ =	swait.ge [sflag:s5], $0x2800  }
0x97: {  	s21 =	simm.s32 $0x9100;
	[sflag:s5] =	ssyncset.done $0x0  }
0x98: {  	s29 =	sadd.s32 $0xFFFFF100, s24;
	[sflag:s5] =	ssyncadd.s32 $0xFFFFD800;
	s5 =	simm.s32 $0xC  }
0x99: {  	[hbm4b:s29+s3] =	stream.linear.scatter [tilespmem:s21], [sflag:$0xE], $0x2800, $0x38;
	[tilespmem:$0x1A900] =	vst v63  }
0x9a: {  	_ =	swait.ge [sflag:s5], $0x2800  }
0x9b: {  	[sflag:s5] =	ssyncset.done $0x0  }
0x9c: {  	s29 =	sadd.s32 $0x370, s26;
	[sflag:s5] =	ssyncadd.s32 $0xFFFFD800;
	s5 =	simm.s32 $0x5  }
0x9d: {  	[tilespmem:s0], [sflag:$0x2] =	stream.indirect.gather [hbm4b:s1+s18], $0x80, s29, s18, $0xb8;
	[tilespmem:$0x1A900] =	vst v63  }
0x9e: {  	_ =	swait.ge [sflag:s5], $0x2800  }
0x9f: {  	[sflag:s5] =	ssyncset.done $0x0  }
0xa0: {  	s28 =	simm.s32 $0xB900;
	s29 =	sadd.s32 $0xFFFFF600, s24;
	[sflag:s5] =	ssyncadd.s32 $0xFFFFD800  }
0xa1: {  	[hbm4b:s29+s3] =	stream.linear.scatter [tilespmem:s28], [sflag:$0xF], $0x2800, $0x38;
	[tilespmem:$0x1A900] =	vst v63  }
0xa2: {  	_ =	swait.ge [sflag:s8], $0x2800  }
0xa3: {  	[sflag:s8] =	ssyncset.done $0x0  }
0xa4: {  	s25 =	simm.s32 $0x6900;
	s29 =	sadd.s32 $0x3C0, s26;
	[sflag:s8] =	ssyncadd.s32 $0xFFFFD800  }
0xa5: {  	[tilespmem:s2], [sflag:$0x3] =	stream.indirect.gather [hbm4b:s1+s18], $0x80, s29, s18, $0xb8;
	[tilespmem:$0x1A900] =	vst v63  }
0xa6: {  	_ =	swait.ge [sflag:s9], $0x2800  }
0xa7: {  	[sflag:s9] =	ssyncset.done $0x0  }
0xa8: {  	s23 =	simm.s32 $0xE100;
	s29 =	sadd.s32 $0xFFFFFB00, s24;
	[sflag:s9] =	ssyncadd.s32 $0xFFFFD800  }
0xa9: {  	[hbm4b:s29+s3] =	stream.linear.scatter [tilespmem:s23], [sflag:$0x10], $0x2800, $0x38;
	[tilespmem:$0x1A900] =	vst v63  }
0xaa: {  	_ =	swait.ge [sflag:s10], $0x2800  }
0xab: {  	[sflag:s10] =	ssyncset.done $0x0  }
0xac: {  	s2 =	simm.s32 $0x9100;
	s29 =	sadd.s32 $0x410, s26;
	[sflag:s10] =	ssyncadd.s32 $0xFFFFD800  }
0xad: {  	[tilespmem:s21], [sflag:$0x4] =	stream.indirect.gather [hbm4b:s1+s18], $0x80, s29, s18, $0xb8;
	[tilespmem:$0x1A900] =	vst v63  }
0xae: {  	_ =	swait.ge [sflag:s11], $0x2800  }
0xaf: {  	[sflag:s11] =	ssyncset.done $0x0  }
0xb0: {  	s30 =	simm.s32 $0x10900;
	[sflag:s11] =	ssyncadd.s32 $0xFFFFD800  }
0xb1: {  	[hbm4b:s24+s3] =	stream.linear.scatter [tilespmem:s30], [sflag:$0x11], $0x2800, $0x38;
	[tilespmem:$0x1A900] =	vst v63  }
0xb2: {  	_ =	swait.ge [sflag:s12], $0x2800  }
0xb3: {  	[sflag:s12] =	ssyncset.done $0x0  }
0xb4: {  	s29 =	sadd.s32 $0x460, s26;
	s21 =	simm.s32 $0xB900;
	[sflag:s12] =	ssyncadd.s32 $0xFFFFD800  }
0xb5: {  	[tilespmem:s28], [sflag:$0x5] =	stream.indirect.gather [hbm4b:s1+s18], $0x80, s29, s18, $0xb8;
	[tilespmem:$0x1A900] =	vst v63  }
0xb6: {  	_ =	swait.ge [sflag:s13], $0x2800  }
0xb7: {  	[sflag:s13] =	ssyncset.done $0x0  }
0xb8: {  	s5 =	simm.s32 $0x13100;
	s29 =	sadd.s32 $0x500, s24;
	[sflag:s13] =	ssyncadd.s32 $0xFFFFD800  }
0xb9: {  	[hbm4b:s29+s3] =	stream.linear.scatter [tilespmem:s5], [sflag:$0x12], $0x2800, $0x38;
	[tilespmem:$0x1A900] =	vst v63  }
0xba: {  	_ =	swait.ge [sflag:s4], $0x2800  }
0xbb: {  	[sflag:s4] =	ssyncset.done $0x0  }
0xbc: {  	s28 =	simm.s32 $0xE100;
	s29 =	sadd.s32 $0x4B0, s26;
	[sflag:s4] =	ssyncadd.s32 $0xFFFFD800  }
0xbd: {  	[tilespmem:s23], [sflag:$0x6] =	stream.indirect.gather [hbm4b:s1+s18], $0x80, s29, s18, $0xb8;
	[tilespmem:$0x1A900] =	vst v63  }
0xbe: {  	_ =	swait.ge [sflag:s14], $0x2800  }
0xbf: {  	[sflag:s14] =	ssyncset.done $0x0  }
0xc0: {  	s7 =	simm.s32 $0x15900;
	s29 =	sadd.s32 $0xA00, s24;
	[sflag:s14] =	ssyncadd.s32 $0xFFFFD800  }
0xc1: {  	[hbm4b:s29+s3] =	stream.linear.scatter [tilespmem:s7], [sflag:$0x13], $0x2800, $0x38;
	[tilespmem:$0x1A900] =	vst v63  }
0xc2: {  	_ =	swait.ge [sflag:s15], $0x2800  }
0xc3: {  	[sflag:s15] =	ssyncset.done $0x0  }
0xc4: {  	s23 =	simm.s32 $0x10900;
	s29 =	sadd.s32 $0x500, s26;
	[sflag:s15] =	ssyncadd.s32 $0xFFFFD800  }
0xc5: {  	[tilespmem:s30], [sflag:$0x7] =	stream.indirect.gather [hbm4b:s1+s18], $0x80, s29, s18, $0xb8;
	[tilespmem:$0x1A900] =	vst v63  }
0xc6: {  	_ =	swait.ge [sflag:s17], $0x2800  }
0xc7: {  	[sflag:s17] =	ssyncset.done $0x0  }
0xc8: {  	s29 =	sadd.s32 $0xF00, s24;
	[sflag:s17] =	ssyncadd.s32 $0xFFFFD800  }
0xc9: {  	[hbm4b:s29+s3] =	stream.linear.scatter [tilespmem:s6], [sflag:$0x14], $0x2800, $0x38;
	[tilespmem:$0x1A900] =	vst v63  }
0xca: {  	_ =	swait.ge [sflag:s16], $0x2800  }
0xcb: {  	[sflag:s16] =	ssyncset.done $0x0  }
0xcc: {  	s29 =	sadd.s32 $0x550, s26;
	[sflag:s16] =	ssyncadd.s32 $0xFFFFD800  }
0xcd: {  	[tilespmem:s5], [sflag:$0x8] =	stream.indirect.gather [hbm4b:s1+s18], $0x80, s29, s18, $0xb8;
	[tilespmem:$0x1A900] =	vst v63  }
0xce: {  	s30 =	simm.s32 $0x13100;
	s5 =	simm.s32 $0x1  }
0xcf: {  	_ =	swait.ge [sflag:s5], $0x2800  }
0xd0: {  	[sflag:s5] =	ssyncset.done $0x0  }
0xd1: {  	s29 =	sadd.s32 $0x1400, s24;
	[sflag:s5] =	ssyncadd.s32 $0xFFFFD800  }
0xd2: {  	[hbm4b:s29+s3] =	stream.linear.scatter [tilespmem:s31], [sflag:$0xB], $0x2800, $0x38;
	[tilespmem:$0x1A900] =	vst v63  }
0xd3: {  	_ =	swait.ge [sflag:s19], $0x2800  }
0xd4: {  	[sflag:s19] =	ssyncset.done $0x0  }
0xd5: {  	s29 =	sadd.s32 $0x5A0, s26;
	[sflag:s19] =	ssyncadd.s32 $0xFFFFD800  }
0xd6: {  	[tilespmem:s7], [sflag:$0x9] =	stream.indirect.gather [hbm4b:s1+s18], $0x80, s29, s18, $0xb8;
	[tilespmem:$0x1A900] =	vst v63  }
0xd7: {  	s6 =	simm.s32 $0x15900;
	s7 =	simm.s32 $0x2  }
0xd8: {  	_ =	swait.ge [sflag:s7], $0x2800  }
0xd9: {  	[sflag:s7] =	ssyncset.done $0x0  }
.Ltmp0:
0xda: {  	s29 =	sadd.s32 $0x1900, s24;
	[sflag:s7] =	ssyncadd.s32 $0xFFFFD800;
	(pc) =	sbr.rel @p0 .LBB2_2-.Ltmp0, $4  }
0xdb: {  	[hbm4b:s29+s3] =	stream.linear.scatter [tilespmem:s0], [sflag:$0xC], $0x2800, $0x38;
	[tilespmem:$0x1A900] =	vst v63  }
0xdc: {  	_ =	swait.ge [sflag:s20], $0x2800  }
0xdd: {  	[sflag:s20] =	ssyncset.done $0x0  }
0xde: {  	s26 =	sadd.s32 $0x5F0, s26;
	s24 =	sadd.s32 $0x3200, s24;
	[sflag:s20] =	ssyncadd.s32 $0xFFFFD800  }
0xdf: {  	s0 =	simm.s32 $0x18100;
	s22 =	simm.s32 $0x3  }
0xe0: {  	[tilespmem:s0], [sflag:$0xA] =	stream.indirect.gather [hbm4b:s1+s18], $0x80, s26, s18, $0xb8;
	[tilespmem:$0x1A900] =	vst v63  }
0xe1: {  	_ =	swait.ge [sflag:s22], $0x2800  }
0xe2: {  	[sflag:s22] =	ssyncset.done $0x0  }
0xe3: {  	s24 =	simm.s32 $0xB;
	s31 =	rddreg [dreg:$0x7];
	[sflag:s22] =	ssyncadd.s32 $0xFFFFD800  }
0xe4: {  	[hbm4b:s31+s3] =	stream.linear.scatter [tilespmem:s25], [sflag:$0xD], $0x2800, $0x38;
	[tilespmem:$0x1A900] =	vst v63  }
0xe5: {  	_ =	swait.ge [sflag:s24], $0x2800  }
0xe6: {  	[sflag:s24] =	ssyncset.done $0x0  }
0xe7: {  	s25 =	simm.s32 $0x4;
	[sflag:s24] =	ssyncadd.s32 $0xFFFFD800  }
0xe8: {  	_ =	swait.ge [sflag:s25], $0x2800  }
0xe9: {  	[sflag:s25] =	ssyncset.done $0x0  }
0xea: {  	s29 =	simm.s32 $0xC;
	s26 =	rddreg [dreg:$0x8];
	[sflag:s25] =	ssyncadd.s32 $0xFFFFD800  }
0xeb: {  	[hbm4b:s26+s3] =	stream.linear.scatter [tilespmem:s2], [sflag:$0xE], $0x2800, $0x38;
	[tilespmem:$0x1A900] =	vst v63  }
0xec: {  	_ =	swait.ge [sflag:s29], $0x2800  }
0xed: {  	[sflag:s29] =	ssyncset.done $0x0  }
0xee: {  	s31 =	simm.s32 $0x5;
	[sflag:s29] =	ssyncadd.s32 $0xFFFFD800  }
0xef: {  	_ =	swait.ge [sflag:s31], $0x2800  }
0xf0: {  	[sflag:s31] =	ssyncset.done $0x0  }
0xf1: {  	s2 =	rddreg [dreg:$0x9];
	[sflag:s31] =	ssyncadd.s32 $0xFFFFD800  }
0xf2: {  	[hbm4b:s2+s3] =	stream.linear.scatter [tilespmem:s21], [sflag:$0xF], $0x2800, $0x38;
	[tilespmem:$0x1A900] =	vst v63  }
0xf3: {  	_ =	swait.ge [sflag:s8], $0x2800  }
0xf4: {  	[sflag:s8] =	ssyncset.done $0x0  }
0xf5: {  	[sflag:s8] =	ssyncadd.s32 $0xFFFFD800  }
0xf6: {  	_ =	swait.ge [sflag:s9], $0x2800  }
0xf7: {  	[sflag:s9] =	ssyncset.done $0x0  }
0xf8: {  	s24 =	rddreg [dreg:$0xa];
	[sflag:s9] =	ssyncadd.s32 $0xFFFFD800  }
0xf9: {  	[hbm4b:s24+s3] =	stream.linear.scatter [tilespmem:s28], [sflag:$0x10], $0x2800, $0x38;
	[tilespmem:$0x1A900] =	vst v63  }
0xfa: {  	_ =	swait.ge [sflag:s10], $0x2800  }
0xfb: {  	[sflag:s10] =	ssyncset.done $0x0  }
0xfc: {  	[sflag:s10] =	ssyncadd.s32 $0xFFFFD800  }
0xfd: {  	_ =	swait.ge [sflag:s11], $0x2800  }
0xfe: {  	[sflag:s11] =	ssyncset.done $0x0  }
0xff: {  	s25 =	rddreg [dreg:$0xb];
	[sflag:s11] =	ssyncadd.s32 $0xFFFFD800  }
0x100: {  	[hbm4b:s25+s3] =	stream.linear.scatter [tilespmem:s23], [sflag:$0x11], $0x2800, $0x38;
	[tilespmem:$0x1A900] =	vst v63  }
0x101: {  	_ =	swait.ge [sflag:s12], $0x2800  }
0x102: {  	[sflag:s12] =	ssyncset.done $0x0  }
0x103: {  	[sflag:s12] =	ssyncadd.s32 $0xFFFFD800  }
0x104: {  	_ =	swait.ge [sflag:s13], $0x2800  }
0x105: {  	[sflag:s13] =	ssyncset.done $0x0  }
0x106: {  	s26 =	rddreg [dreg:$0xc];
	[sflag:s13] =	ssyncadd.s32 $0xFFFFD800  }
0x107: {  	[hbm4b:s26+s3] =	stream.linear.scatter [tilespmem:s30], [sflag:$0x12], $0x2800, $0x38;
	[tilespmem:$0x1A900] =	vst v63  }
0x108: {  	_ =	swait.ge [sflag:s4], $0x2800  }
0x109: {  	[sflag:s4] =	ssyncset.done $0x0  }
0x10a: {  	[sflag:s4] =	ssyncadd.s32 $0xFFFFD800  }
0x10b: {  	_ =	swait.ge [sflag:s14], $0x2800  }
0x10c: {  	[sflag:s14] =	ssyncset.done $0x0  }
0x10d: {  	s28 =	rddreg [dreg:$0xd];
	[sflag:s14] =	ssyncadd.s32 $0xFFFFD800  }
0x10e: {  	[hbm4b:s28+s3] =	stream.linear.scatter [tilespmem:s6], [sflag:$0x13], $0x2800, $0x38;
	[tilespmem:$0x1A900] =	vst v63  }
0x10f: {  	_ =	swait.ge [sflag:s15], $0x2800  }
0x110: {  	[sflag:s15] =	ssyncset.done $0x0  }
0x111: {  	[sflag:s15] =	ssyncadd.s32 $0xFFFFD800  }
0x112: {  	_ =	swait.ge [sflag:s17], $0x2800  }
0x113: {  	[sflag:s17] =	ssyncset.done $0x0  }
0x114: {  	s29 =	rddreg [dreg:$0xe];
	[sflag:s17] =	ssyncadd.s32 $0xFFFFD800  }
0x115: {  	[hbm4b:s29+s3] =	stream.linear.scatter [tilespmem:s0], [sflag:$0x14], $0x2800, $0x38;
	[tilespmem:$0x1A900] =	vst v63  }
0x116: {  	_ =	swait.ge [sflag:s16], $0x2800  }
0x117: {  	[sflag:s16] =	ssyncset.done $0x0  }
0x118: {  	[sflag:s16] =	ssyncadd.s32 $0xFFFFD800  }
0x119: {  	_ =	swait.ge [sflag:s19], $0x2800  }
0x11a: {  	[sflag:s19] =	ssyncset.done $0x0  }
0x11b: {  	[sflag:s19] =	ssyncadd.s32 $0xFFFFD800  }
0x11c: {  	_ =	swait.ge [sflag:s20], $0x2800  }
0x11d: {  	s30 =	rddreg [dreg:$0x11]  }
0x11e: {  	s31 =	rddreg [dreg:$0xf];
	s2 =	sadd.s32 $0x1, s30  }
0x11f: {  	p0 =	sne.s32 s2, s31  }
.Ltmp1:
0x120: {  	_ = 	snop;
	(pc) =	sbr.rel @p0 .LBB2_1-.Ltmp1, $3  }
0x121: {  	_ =	sdelay $0x1  }
0x122: {  	[sflag:s20] =	ssyncset.done $0x0  }
0x123: {  	s26 =	simm.s32 $0x1900;
	s0 =	simm.s32 $0x4100;
	[sflag:s20] =	ssyncadd.s32 $0xFFFFD800  }
0x124: {  	_ =	sfence.sel $0x180000  }
0x125: {  	[bflag:$0x0] =	sbarrier.arrive $0xFFFF  }
0x126: {  	_ =	strace $0x90000047  }
0x127: {  	s0 =	stileid.u32;
	[bflag:$0x2] =	sbarrier.arrive $0xFFFF  }
0x128: {  	p0 =	sne.s32 s0, $0x0;
	s0 =	rddreg [dreg:$0x3]  }
0x129: {  	s0 =	sadd.s32 @!p0 $0x100000, s0  }
0x12a: {  	[sflag:s0] =	ssyncadd.tile.s32 @!p0 $0x1;
	_ =	shalt  }
.Lfunc_end2:
_tile_overlayer_lowered:
.L_overlay_start_2:
0x12b: {  	(tag) =	ssettag $0x2  }
0x12c: {  	s0 =	rddreg [dreg:$0x0];
	s2 =	stileid.u32  }
0x12d: {  	s1 =	rddreg [dreg:$0x1];
	p0 =	sne.s32 s2, $0x0  }
0x12e: {  	s3 =	rddreg [dreg:$0x2];
	[bflag:$0x3] =	sbarrier.arrive $0xFFFF;
	s2 =	simm.s32 @!p0 $0x1C15  }
0x12f: {  	[timem:s3], [sflag:s2] =	dma.local @!p0 [hbm:s0], s1  }
0x130: {  	s0 =	simm.s32 @!p0 $0x15  }
0x131: {  	_ =	swait.ge @!p0 [sflag:s0], s1  }
0x132: {  	s1 =	ssub.s32 @!p0 $0x0, s1;
	[sflag:s0] =	ssyncset.done @!p0 $0x0  }
0x133: {  	[sflag:s0] =	ssyncadd.s32 @!p0 s1  }
0x134: {  	[bflag:$0x3] =	sbarrier.arrive $0xFFFF  }
0x135: {  	_ =	shalt  }

</sc_bundles>
